<compile_context>
chip_gen: v7x
topology: tpu7x:2x2x1
jax: 0.10.2.dev20260603
libtpu: 0.0.44.dev20260713+nightly
codegen_flags: <defaults>
</compile_context>

<pallas_src>
import functools

import jax
import jax.numpy as jnp
from jax import lax
from jax.experimental import pallas as pl
from jax.experimental.pallas import tpu as pltpu
from jax.experimental.pallas import tpu_sc as plsc

D = 128
N_NODES = 100000
N0 = 10000
N1 = 2000
N2 = 1024

_INFO = plsc.get_sparse_core_info()
NC = _INFO.num_cores
NS = _INFO.num_subcores
NW = NC * NS

_mesh = plsc.VectorSubcoreMesh(core_axis_name="c", subcore_axis_name="s")

FAST_CORE = 1
S_FAST = 384
S_SLOW = 240
S_EXTRA = 16
S_SLOW_BASE = 16 * S_FAST
assert 16 * (S_FAST + S_SLOW) + S_EXTRA == N0
D_FAST = 64
D_SLOW = 56
D_EXTRA = 80
D_SLOW_BASE = 16 * D_FAST
assert 16 * (D_FAST + D_SLOW) + D_EXTRA == N1
SBUF = S_FAST + S_EXTRA
DBUF = D_FAST + D_EXTRA


def _chunks(total, size):
    out, off = [], 0
    while off < total:
        c = min(size, total - off)
        out.append((off, c))
        off += c
    return out


@functools.partial(
    pl.kernel,
    out_type=[
        jax.ShapeDtypeStruct((N0, D), jnp.float32),
        jax.ShapeDtypeStruct((N1, D), jnp.float32),
    ],
    mesh=_mesh,
    scratch_types=[
        pltpu.VMEM((SBUF,), jnp.int32),
        pltpu.VMEM((DBUF,), jnp.int32),
        pltpu.VMEM((SBUF,), jnp.int32),
        pltpu.VMEM((DBUF,), jnp.int32),
        pltpu.VMEM((SBUF, D), jnp.float32),
        pltpu.VMEM((DBUF, D), jnp.float32),
        pltpu.VMEM_SHARED((N0,), jnp.int32),
        pltpu.SemaphoreType.DMA,
        pltpu.SemaphoreType.DMA,
        pltpu.SemaphoreType.DMA,
        pltpu.SemaphoreType.DMA,
    ],
)
def _gather_l1(raw_hbm, srcn_hbm, s1_hbm, d1_hbm, src1_out, dst1_out,
               s1v, d1v, cs1v, cd1v, rows_v, drows_v, snv_sh,
               isem, csem, rsem, wsem):
    cid = lax.axis_index("c")
    sid = lax.axis_index("s")

    @pl.when(sid == 0)
    def _():
        pltpu.sync_copy(srcn_hbm, snv_sh)

    plsc.subcore_barrier()

    def _ds(off, n):
        if isinstance(off, int):
            return pl.ds(off, n)
        return pl.ds(pl.multiple_of(off, 8), n)

    def _run_spans(s_spans, d_spans, chunk_s, chunk_d):
        ids = []
        for hoff, voff, n in s_spans:
            ids.append(pltpu.async_copy(s1_hbm.at[_ds(hoff, n)],
                                        s1v.at[pl.ds(voff, n)], isem))
        for hoff, voff, n in d_spans:
            ids.append(pltpu.async_copy(d1_hbm.at[_ds(hoff, n)],
                                        d1v.at[pl.ds(voff, n)], isem))
        for dsc in ids:
            dsc.wait()
        cds = []
        for hoff, voff, n in s_spans:
            for coff, cn in _chunks(n, chunk_s):
                cds.append(pltpu.async_copy(
                    snv_sh.at[s1v.at[pl.ds(voff + coff, cn)]],
                    cs1v.at[pl.ds(voff + coff, cn)], csem))
        for hoff, voff, n in d_spans:
            for coff, cn in _chunks(n, chunk_d):
                cds.append(pltpu.async_copy(
                    snv_sh.at[d1v.at[pl.ds(voff + coff, cn)]],
                    cd1v.at[pl.ds(voff + coff, cn)], csem))
        for dsc in cds:
            dsc.wait()
        rds = []
        for hoff, voff, n in s_spans:
            for coff, cn in _chunks(n, chunk_s):
                rds.append(pltpu.async_copy(
                    raw_hbm.at[cs1v.at[pl.ds(voff + coff, cn)]],
                    rows_v.at[pl.ds(voff + coff, cn)], rsem))
        for hoff, voff, n in d_spans:
            for coff, cn in _chunks(n, chunk_d):
                rds.append(pltpu.async_copy(
                    raw_hbm.at[cd1v.at[pl.ds(voff + coff, cn)]],
                    drows_v.at[pl.ds(voff + coff, cn)], rsem))
        for dsc in rds:
            dsc.wait()
        wds = []
        for hoff, voff, n in s_spans:
            wds.append(pltpu.async_copy(
                rows_v.at[pl.ds(voff, n)],
                src1_out.at[pl.ds(hoff, n)], wsem))
        for hoff, voff, n in d_spans:
            wds.append(pltpu.async_copy(
                drows_v.at[pl.ds(voff, n)],
                dst1_out.at[pl.ds(hoff, n)], wsem))
        for dsc in wds:
            dsc.wait()

    s_ex = (S_SLOW_BASE + 16 * S_SLOW, S_FAST, S_EXTRA)
    d_ex = (D_SLOW_BASE + 16 * D_SLOW, D_FAST, D_EXTRA)

    @pl.when((cid == FAST_CORE) & (sid == 0))
    def _():
        _run_spans([(0, 0, S_FAST), s_ex], [(0, 0, D_FAST), d_ex], 128, 64)

    @pl.when((cid == FAST_CORE) & (sid != 0))
    def _():
        _run_spans([(sid * S_FAST, 0, S_FAST)],
                   [(sid * D_FAST, 0, D_FAST)], 128, 64)

    @pl.when(cid != FAST_CORE)
    def _():
        _run_spans([(S_SLOW_BASE + sid * S_SLOW, 0, S_SLOW)],
                   [(D_SLOW_BASE + sid * D_SLOW, 0, D_SLOW)], 120, 56)


L1_KB = 1024
L1_STEPS = 10


def _tc_body(dif1_ref, src_ref, dst_ref, dif2_ref, s2_ref, d2_ref,
             w1a_ref, w1b_ref, w2a_ref, w2b_ref, out_ref,
             acc_ref, ohs_ref, ohd_ref):
    k = pl.program_id(0)
    bf16 = jnp.bfloat16

    @pl.when(k == 0)
    def _():
        cols_s = lax.broadcasted_iota(jnp.int32, (N1, N1), 1)
        ohs_ref[...] = (s2_ref[...] == cols_s).astype(bf16)
        cols_d = lax.broadcasted_iota(jnp.int32, (N2, N1), 1)
        ohd_ref[...] = (d2_ref[...] == cols_d).astype(bf16)
        acc_ref[...] = jnp.dot(dif1_ref[...], src_ref[...],
                               preferred_element_type=jnp.float32)

    @pl.when((k > 0) & (k < L1_STEPS - 1))
    def _():
        acc_ref[...] += jnp.dot(dif1_ref[...], src_ref[...],
                                preferred_element_type=jnp.float32)

    @pl.when(k == L1_STEPS - 1)
    def _():
        rem = N0 - (L1_STEPS - 1) * L1_KB
        cols = lax.broadcasted_iota(jnp.int32, (N1, L1_KB), 1)
        dif = jnp.where(cols < rem, dif1_ref[...], 0.0)
        srows = lax.broadcasted_iota(jnp.int32, (L1_KB, D), 0)
        src = jnp.where(srows < rem, src_ref[...], 0.0)
        acc = acc_ref[...] + jnp.dot(dif, src,
                                     preferred_element_type=jnp.float32)
        x1 = jnp.maximum(
            jnp.dot(dst_ref[...], w1a_ref[...],
                    preferred_element_type=jnp.float32)
            + jnp.dot(acc, w1b_ref[...],
                      preferred_element_type=jnp.float32),
            0.0)
        x1b = x1.astype(bf16)
        src2 = jnp.dot(ohs_ref[...], x1b, preferred_element_type=jnp.float32)
        agg2 = lax.dot_general(
            dif2_ref[...].astype(bf16), src2.astype(bf16),
            (((0,), (0,)), ((), ())),
            preferred_element_type=jnp.float32)
        dst2 = jnp.dot(ohd_ref[...], x1b, preferred_element_type=jnp.float32)
        out_ref[...] = (
            jnp.dot(dst2.astype(bf16), w2a_ref[...].astype(bf16),
                    preferred_element_type=jnp.float32)
            + jnp.dot(agg2.astype(bf16), w2b_ref[...].astype(bf16),
                      preferred_element_type=jnp.float32))


def _tc_fused(dif1, src1, dst1, dif2, s2, d2, w1a, w1b, w2a, w2b):
    return pl.pallas_call(
        _tc_body,
        grid=(L1_STEPS,),
        in_specs=[
            pl.BlockSpec((N1, L1_KB), lambda k: (0, k)),
            pl.BlockSpec((L1_KB, D), lambda k: (k, 0)),
            pl.BlockSpec((N1, D), lambda k: (0, 0)),
            pl.BlockSpec((N1, N2), lambda k: (0, 0)),
            pl.BlockSpec((N1, 1), lambda k: (0, 0)),
            pl.BlockSpec((N2, 1), lambda k: (0, 0)),
            pl.BlockSpec((D, D), lambda k: (0, 0)),
            pl.BlockSpec((D, D), lambda k: (0, 0)),
            pl.BlockSpec((D, D), lambda k: (0, 0)),
            pl.BlockSpec((D, D), lambda k: (0, 0)),
        ],
        out_specs=pl.BlockSpec((N2, D), lambda k: (0, 0)),
        out_shape=jax.ShapeDtypeStruct((N2, D), jnp.float32),
        scratch_shapes=[
            pltpu.VMEM((N1, D), jnp.float32),
            pltpu.VMEM((N1, N1), jnp.bfloat16),
            pltpu.VMEM((N2, N1), jnp.bfloat16),
        ],
        compiler_params=pltpu.CompilerParams(
            dimension_semantics=("arbitrary",)),
    )(dif1, src1, dst1, dif2, s2, d2, w1a, w1b, w2a, w2b)


def kernel(raw_features, src_nodes, dstsrc2src_l1, dstsrc2dst_l1, dif_mat_l1,
           dstsrc2src_l2, dstsrc2dst_l2, dif_mat_l2, w1, w2):
    i32 = jnp.int32
    src1, dst1 = _gather_l1(raw_features, src_nodes.astype(i32),
                            dstsrc2src_l1.astype(i32),
                            dstsrc2dst_l1.astype(i32))
    s2c = dstsrc2src_l2.astype(i32).reshape(N1, 1)
    d2c = dstsrc2dst_l2.astype(i32).reshape(N2, 1)
    return _tc_fused(dif_mat_l1, src1, dst1, dif_mat_l2.T, s2c, d2c,
                     w1[:D], w1[D:], w2[:D], w2[D:])

# --- scband reference (transcript-rebuilt; emitter-appended) ---
"""Pipeline reference for scband-graph-sage-base-35115652612624 (READ-ONLY COPY).

The authoritative reference and input builder live on the scoring server;
editing this copy changes nothing except your own understanding.
"""

import jax, jax.numpy as jnp
import numpy as np

N_NODES = 100000
D_FEAT = 128
D_INT = 128
N0 = 10000   # src_nodes / layer-1 dstsrc set size
N1 = 2000    # layer-1 output / layer-2 dstsrc set size
N2 = 1024    # final batch of dst nodes


def setup_inputs(seed: int = 0) -> dict:
    key = jax.random.key(seed)
    ks = jax.random.split(key, 10)
    raw_features = jax.random.normal(ks[0], (N_NODES, D_FEAT), dtype=jnp.float32)
    src_nodes = jax.random.randint(ks[1], (N0,), 0, N_NODES)
    dstsrc2src_l1 = jax.random.randint(ks[2], (N0,), 0, N0)
    dstsrc2dst_l1 = jax.random.randint(ks[3], (N1,), 0, N0)
    dif_mat_l1 = jax.random.uniform(ks[4], (N1, N0), dtype=jnp.float32)
    dstsrc2src_l2 = jax.random.randint(ks[5], (N1,), 0, N1)
    dstsrc2dst_l2 = jax.random.randint(ks[6], (N2,), 0, N1)
    dif_mat_l2 = jax.random.uniform(ks[7], (N2, N1), dtype=jnp.float32)
    # MeanAggregator weights: concat([dst, agg]) -> [*, 2*in_dim] @ w[2*in_dim, internal_dim]
    w1 = jax.random.normal(ks[8], (2 * D_FEAT, D_INT), dtype=jnp.float32) * 0.05
    w2 = jax.random.normal(ks[9], (2 * D_INT, D_INT), dtype=jnp.float32) * 0.05
    return {
        'raw_features': raw_features,
        'src_nodes': src_nodes,
        'dstsrc2src_l1': dstsrc2src_l1,
        'dstsrc2dst_l1': dstsrc2dst_l1,
        'dif_mat_l1': dif_mat_l1,
        'dstsrc2src_l2': dstsrc2src_l2,
        'dstsrc2dst_l2': dstsrc2dst_l2,
        'dif_mat_l2': dif_mat_l2,
        'w1': w1,
        'w2': w2,
    }


def _mean_aggregate(x, dstsrc2src, dstsrc2dst, dif_mat, w, activ):
    # Faithful to MeanAggregator.call:
    #   dst_features = tf.gather(x, dstsrc2dst)
    #   src_features = tf.gather(x, dstsrc2src)
    #   aggregated   = dif_mat @ src_features
    #   out = concat([dst, aggregated], 1) @ w ; optional relu
    dst_features = jnp.take(x, dstsrc2dst, axis=0)
    src_features = jnp.take(x, dstsrc2src, axis=0)
    aggregated = jnp.matmul(dif_mat, src_features)
    concatenated = jnp.concatenate([dst_features, aggregated], axis=1)
    out = jnp.matmul(concatenated, w)
    if activ:
        out = jax.nn.relu(out)
    return out


def reference(raw_features, src_nodes, dstsrc2src_l1, dstsrc2dst_l1, dif_mat_l1,
              dstsrc2src_l2, dstsrc2dst_l2, dif_mat_l2, w1, w2):
    # RawFeature input layer: gather raw features for the minibatch src node set
    x = jnp.take(raw_features, src_nodes, axis=0)
    # agg_lv1: has_activ=True (not last layer)
    x = _mean_aggregate(x, dstsrc2src_l1, dstsrc2dst_l1, dif_mat_l1, w1, True)
    # agg_lv2: last layer, last_has_activ=False
    x = _mean_aggregate(x, dstsrc2src_l2, dstsrc2dst_l2, dif_mat_l2, w2, False)
    return x

if __name__ == "__main__":
    import jax
    _d = setup_inputs()
    print(jax.jit(kernel)(*tuple(_d.values())))

</pallas_src>

<mosaic_0001>
#map = affine_map<(d0, d1) -> (0, 0)>
#map1 = affine_map<(d0, d1) -> (0)>
module attributes {stable_mosaic.version = 14 : i64} {
  func.func @_gather_l1(%arg0: i32, %arg1: i32, %arg2: memref<100000x128xf32, #tpu.memory_space<hbm>>, %arg3: memref<10000xi32, #tpu.memory_space<hbm>>, %arg4: memref<10000xi32, #tpu.memory_space<hbm>>, %arg5: memref<2000xi32, #tpu.memory_space<hbm>>, %arg6: memref<10000x128xf32, #tpu.memory_space<hbm>>, %arg7: memref<2000x128xf32, #tpu.memory_space<hbm>>, %arg8: memref<400xi32, #tpu.memory_space<vmem>>, %arg9: memref<144xi32, #tpu.memory_space<vmem>>, %arg10: memref<400xi32, #tpu.memory_space<vmem>>, %arg11: memref<144xi32, #tpu.memory_space<vmem>>, %arg12: memref<400x128xf32, #tpu.memory_space<vmem>>, %arg13: memref<144x128xf32, #tpu.memory_space<vmem>>, %arg14: memref<10000xi32, #tpu.memory_space<vmem_shared>>, %arg15: memref<!tpu.dma_semaphore, #tpu.memory_space<semaphore_mem>>, %arg16: memref<!tpu.dma_semaphore, #tpu.memory_space<semaphore_mem>>, %arg17: memref<!tpu.dma_semaphore, #tpu.memory_space<semaphore_mem>>, %arg18: memref<!tpu.dma_semaphore, #tpu.memory_space<semaphore_mem>>) attributes {dimension_semantics = [#tpu.dimension_semantics<core_parallel>, #tpu.dimension_semantics<subcore_parallel>], iteration_bounds = array<i64: 2, 16>, scalar_prefetch = 0 : i64, scratch_operands = 11 : i64, tpu.core_type = #tpu.core_type<sc_vector_subcore>, window_params = [{transform_indices = #map}, {transform_indices = #map1}, {transform_indices = #map1}, {transform_indices = #map1}, {transform_indices = #map}, {transform_indices = #map}]} {
    %eq3A = arith.constant 0 : i32
    %eq3A_0 = arith.cmpi eq, %arg1, %eq3A : i32
    %convert_element_type3A = arith.extui %eq3A_0 : i1 to i32
    %cond3A = arith.constant 0 : i32
    %cond3A_1 = arith.cmpi ne, %convert_element_type3A, %cond3A : i32
    scf.if %cond3A_1 {
      "tpu.region"() ({
        %run_scoped3A = tpu.sem_alloc : memref<!tpu.dma_semaphore, #tpu.memory_space<semaphore_mem>>
        tpu.enqueue_dma source(%arg3 : memref<10000xi32, #tpu.memory_space<hbm>>) target(%arg14 : memref<10000xi32, #tpu.memory_space<vmem_shared>>) target_semaphore(%run_scoped3A : memref<!tpu.dma_semaphore, #tpu.memory_space<semaphore_mem>>)
        tpu.wait_dma2 semaphore(%run_scoped3A : memref<!tpu.dma_semaphore, #tpu.memory_space<semaphore_mem>>) src(%arg3 : memref<10000xi32, #tpu.memory_space<hbm>>) dst(%arg14 : memref<10000xi32, #tpu.memory_space<vmem_shared>>)
        tpu.yield
      }) : () -> ()
    } else {
    }
    %barrier3A = arith.constant 0 : index
    tpu.barrier barrier_id(%barrier3A)
    %eq3A_2 = arith.constant 1 : i32
    %eq3A_3 = arith.cmpi eq, %arg0, %eq3A_2 : i32
    %eq3A_4 = arith.constant 0 : i32
    %eq3A_5 = arith.cmpi eq, %arg1, %eq3A_4 : i32
    %and3A = arith.andi %eq3A_3, %eq3A_5 : i1
    %convert_element_type3A_6 = arith.extui %and3A : i1 to i32
    %cond3A_7 = arith.constant 0 : i32
    %cond3A_8 = arith.cmpi ne, %convert_element_type3A_6, %cond3A_7 : i32
    scf.if %cond3A_8 {
      %dma_start3A = arith.constant 0 : i32
      %dma_start3A_21 = tpu.memref_slice %arg8[%dma_start3A] : memref<400xi32, #tpu.memory_space<vmem>> -> memref<384xi32, #tpu.memory_space<vmem>>
      %dma_start3A_22 = arith.constant 0 : i32
      %dma_start3A_23 = tpu.memref_slice %arg4[%dma_start3A_22] : memref<10000xi32, #tpu.memory_space<hbm>> -> memref<384xi32, #tpu.memory_space<hbm>>
      %dma_start3A_24 = arith.constant 0 : i32
      %dma_start3A_25 = tpu.memref_slice %arg8[%dma_start3A_24] : memref<400xi32, #tpu.memory_space<vmem>> -> memref<384xi32, #tpu.memory_space<vmem>>
      %dma_start3A_26 = arith.constant 0 : i32
      %dma_start3A_27 = tpu.memref_slice %arg4[%dma_start3A_26] : memref<10000xi32, #tpu.memory_space<hbm>> -> memref<384xi32, #tpu.memory_space<hbm>>
      tpu.enqueue_dma source(%dma_start3A_27 : memref<384xi32, #tpu.memory_space<hbm>>) target(%dma_start3A_25 : memref<384xi32, #tpu.memory_space<vmem>>) target_semaphore(%arg15 : memref<!tpu.dma_semaphore, #tpu.memory_space<semaphore_mem>>)
      %dma_start3A_28 = arith.constant 384 : i32
      %dma_start3A_29 = tpu.memref_slice %arg8[%dma_start3A_28] : memref<400xi32, #tpu.memory_space<vmem>> -> memref<16xi32, #tpu.memory_space<vmem>>
      %dma_start3A_30 = arith.constant 9984 : i32
      %dma_start3A_31 = tpu.memref_slice %arg4[%dma_start3A_30] : memref<10000xi32, #tpu.memory_space<hbm>> -> memref<16xi32, #tpu.memory_space<hbm>>
      %dma_start3A_32 = arith.constant 384 : i32
      %dma_start3A_33 = tpu.memref_slice %arg8[%dma_start3A_32] : memref<400xi32, #tpu.memory_space<vmem>> -> memref<16xi32, #tpu.memory_space<vmem>>
      %dma_start3A_34 = arith.constant 9984 : i32
      %dma_start3A_35 = tpu.memref_slice %arg4[%dma_start3A_34] : memref<10000xi32, #tpu.memory_space<hbm>> -> memref<16xi32, #tpu.memory_space<hbm>>
      tpu.enqueue_dma source(%dma_start3A_35 : memref<16xi32, #tpu.memory_space<hbm>>) target(%dma_start3A_33 : memref<16xi32, #tpu.memory_space<vmem>>) target_semaphore(%arg15 : memref<!tpu.dma_semaphore, #tpu.memory_space<semaphore_mem>>)
      %dma_start3A_36 = arith.constant 0 : i32
      %dma_start3A_37 = tpu.memref_slice %arg9[%dma_start3A_36] : memref<144xi32, #tpu.memory_space<vmem>> -> memref<64xi32, #tpu.memory_space<vmem>>
      %dma_start3A_38 = arith.constant 0 : i32
      %dma_start3A_39 = tpu.memref_slice %arg5[%dma_start3A_38] : memref<2000xi32, #tpu.memory_space<hbm>> -> memref<64xi32, #tpu.memory_space<hbm>>
      %dma_start3A_40 = arith.constant 0 : i32
      %dma_start3A_41 = tpu.memref_slice %arg9[%dma_start3A_40] : memref<144xi32, #tpu.memory_space<vmem>> -> memref<64xi32, #tpu.memory_space<vmem>>
      %dma_start3A_42 = arith.constant 0 : i32
      %dma_start3A_43 = tpu.memref_slice %arg5[%dma_start3A_42] : memref<2000xi32, #tpu.memory_space<hbm>> -> memref<64xi32, #tpu.memory_space<hbm>>
      tpu.enqueue_dma source(%dma_start3A_43 : memref<64xi32, #tpu.memory_space<hbm>>) target(%dma_start3A_41 : memref<64xi32, #tpu.memory_space<vmem>>) target_semaphore(%arg15 : memref<!tpu.dma_semaphore, #tpu.memory_space<semaphore_mem>>)
      %dma_start3A_44 = arith.constant 64 : i32
      %dma_start3A_45 = tpu.memref_slice %arg9[%dma_start3A_44] : memref<144xi32, #tpu.memory_space<vmem>> -> memref<80xi32, #tpu.memory_space<vmem>>
      %dma_start3A_46 = arith.constant 1920 : i32
      %dma_start3A_47 = tpu.memref_slice %arg5[%dma_start3A_46] : memref<2000xi32, #tpu.memory_space<hbm>> -> memref<80xi32, #tpu.memory_space<hbm>>
      %dma_start3A_48 = arith.constant 64 : i32
      %dma_start3A_49 = tpu.memref_slice %arg9[%dma_start3A_48] : memref<144xi32, #tpu.memory_space<vmem>> -> memref<80xi32, #tpu.memory_space<vmem>>
      %dma_start3A_50 = arith.constant 1920 : i32
      %dma_start3A_51 = tpu.memref_slice %arg5[%dma_start3A_50] : memref<2000xi32, #tpu.memory_space<hbm>> -> memref<80xi32, #tpu.memory_space<hbm>>
      tpu.enqueue_dma source(%dma_start3A_51 : memref<80xi32, #tpu.memory_space<hbm>>) target(%dma_start3A_49 : memref<80xi32, #tpu.memory_space<vmem>>) target_semaphore(%arg15 : memref<!tpu.dma_semaphore, #tpu.memory_space<semaphore_mem>>)
      %dma_wait3A = arith.constant 0 : i32
      %dma_wait3A_52 = tpu.memref_slice %arg8[%dma_wait3A] : memref<400xi32, #tpu.memory_space<vmem>> -> memref<384xi32, #tpu.memory_space<vmem>>
      %dma_wait3A_53 = arith.constant 0 : i32
      %dma_wait3A_54 = tpu.memref_slice %arg4[%dma_wait3A_53] : memref<10000xi32, #tpu.memory_space<hbm>> -> memref<384xi32, #tpu.memory_space<hbm>>
      %dma_wait3A_55 = arith.constant 0 : i32
      %dma_wait3A_56 = tpu.memref_slice %arg8[%dma_wait3A_55] : memref<400xi32, #tpu.memory_space<vmem>> -> memref<384xi32, #tpu.memory_space<vmem>>
      %dma_wait3A_57 = arith.constant 0 : i32
      %dma_wait3A_58 = tpu.memref_slice %arg4[%dma_wait3A_57] : memref<10000xi32, #tpu.memory_space<hbm>> -> memref<384xi32, #tpu.memory_space<hbm>>
      tpu.wait_dma2 semaphore(%arg15 : memref<!tpu.dma_semaphore, #tpu.memory_space<semaphore_mem>>) src(%dma_wait3A_58 : memref<384xi32, #tpu.memory_space<hbm>>) dst(%dma_wait3A_56 : memref<384xi32, #tpu.memory_space<vmem>>)
      %dma_wait3A_59 = arith.constant 384 : i32
      %dma_wait3A_60 = tpu.memref_slice %arg8[%dma_wait3A_59] : memref<400xi32, #tpu.memory_space<vmem>> -> memref<16xi32, #tpu.memory_space<vmem>>
      %dma_wait3A_61 = arith.constant 9984 : i32
      %dma_wait3A_62 = tpu.memref_slice %arg4[%dma_wait3A_61] : memref<10000xi32, #tpu.memory_space<hbm>> -> memref<16xi32, #tpu.memory_space<hbm>>
      %dma_wait3A_63 = arith.constant 384 : i32
      %dma_wait3A_64 = tpu.memref_slice %arg8[%dma_wait3A_63] : memref<400xi32, #tpu.memory_space<vmem>> -> memref<16xi32, #tpu.memory_space<vmem>>
      %dma_wait3A_65 = arith.constant 9984 : i32
      %dma_wait3A_66 = tpu.memref_slice %arg4[%dma_wait3A_65] : memref<10000xi32, #tpu.memory_space<hbm>> -> memref<16xi32, #tpu.memory_space<hbm>>
      tpu.wait_dma2 semaphore(%arg15 : memref<!tpu.dma_semaphore, #tpu.memory_space<semaphore_mem>>) src(%dma_wait3A_66 : memref<16xi32, #tpu.memory_space<hbm>>) dst(%dma_wait3A_64 : memref<16xi32, #tpu.memory_space<vmem>>)
      %dma_wait3A_67 = arith.constant 0 : i32
      %dma_wait3A_68 = tpu.memref_slice %arg9[%dma_wait3A_67] : memref<144xi32, #tpu.memory_space<vmem>> -> memref<64xi32, #tpu.memory_space<vmem>>
      %dma_wait3A_69 = arith.constant 0 : i32
      %dma_wait3A_70 = tpu.memref_slice %arg5[%dma_wait3A_69] : memref<2000xi32, #tpu.memory_space<hbm>> -> memref<64xi32, #tpu.memory_space<hbm>>
      %dma_wait3A_71 = arith.constant 0 : i32
      %dma_wait3A_72 = tpu.memref_slice %arg9[%dma_wait3A_71] : memref<144xi32, #tpu.memory_space<vmem>> -> memref<64xi32, #tpu.memory_space<vmem>>
      %dma_wait3A_73 = arith.constant 0 : i32
      %dma_wait3A_74 = tpu.memref_slice %arg5[%dma_wait3A_73] : memref<2000xi32, #tpu.memory_space<hbm>> -> memref<64xi32, #tpu.memory_space<hbm>>
      tpu.wait_dma2 semaphore(%arg15 : memref<!tpu.dma_semaphore, #tpu.memory_space<semaphore_mem>>) src(%dma_wait3A_74 : memref<64xi32, #tpu.memory_space<hbm>>) dst(%dma_wait3A_72 : memref<64xi32, #tpu.memory_space<vmem>>)
      %dma_wait3A_75 = arith.constant 64 : i32
      %dma_wait3A_76 = tpu.memref_slice %arg9[%dma_wait3A_75] : memref<144xi32, #tpu.memory_space<vmem>> -> memref<80xi32, #tpu.memory_space<vmem>>
      %dma_wait3A_77 = arith.constant 1920 : i32
      %dma_wait3A_78 = tpu.memref_slice %arg5[%dma_wait3A_77] : memref<2000xi32, #tpu.memory_space<hbm>> -> memref<80xi32, #tpu.memory_space<hbm>>
      %dma_wait3A_79 = arith.constant 64 : i32
      %dma_wait3A_80 = tpu.memref_slice %arg9[%dma_wait3A_79] : memref<144xi32, #tpu.memory_space<vmem>> -> memref<80xi32, #tpu.memory_space<vmem>>
      %dma_wait3A_81 = arith.constant 1920 : i32
      %dma_wait3A_82 = tpu.memref_slice %arg5[%dma_wait3A_81] : memref<2000xi32, #tpu.memory_space<hbm>> -> memref<80xi32, #tpu.memory_space<hbm>>
      tpu.wait_dma2 semaphore(%arg15 : memref<!tpu.dma_semaphore, #tpu.memory_space<semaphore_mem>>) src(%dma_wait3A_82 : memref<80xi32, #tpu.memory_space<hbm>>) dst(%dma_wait3A_80 : memref<80xi32, #tpu.memory_space<vmem>>)
      %dma_start3A_83 = arith.constant 0 : i32
      %dma_start3A_84 = tpu.memref_slice %arg10[%dma_start3A_83] : memref<400xi32, #tpu.memory_space<vmem>> -> memref<128xi32, #tpu.memory_space<vmem>>
      %dma_start3A_85 = arith.constant 0 : i32
      %dma_start3A_86 = tpu.memref_slice %arg8[%dma_start3A_85] : memref<400xi32, #tpu.memory_space<vmem>> -> memref<128xi32, #tpu.memory_space<vmem>>
      %dma_start3A_87 = arith.constant 0 : i32
      %dma_start3A_88 = tpu.memref_slice %arg14[%dma_start3A_87] : memref<10000xi32, #tpu.memory_space<vmem_shared>> -> memref<10000xi32, #tpu.memory_space<vmem_shared>>
      tpu.enqueue_indirect_dma source(%dma_start3A_88 : memref<10000xi32, #tpu.memory_space<vmem_shared>>) target(%dma_start3A_84 : memref<128xi32, #tpu.memory_space<vmem>>) offsets(%dma_start3A_86 : memref<128xi32, #tpu.memory_space<vmem>>) semaphore(%arg16 : memref<!tpu.dma_semaphore, #tpu.memory_space<semaphore_mem>>)
      %dma_start3A_89 = arith.constant 128 : i32
      %dma_start3A_90 = tpu.memref_slice %arg10[%dma_start3A_89] : memref<400xi32, #tpu.memory_space<vmem>> -> memref<128xi32, #tpu.memory_space<vmem>>
      %dma_start3A_91 = arith.constant 128 : i32
      %dma_start3A_92 = tpu.memref_slice %arg8[%dma_start3A_91] : memref<400xi32, #tpu.memory_space<vmem>> -> memref<128xi32, #tpu.memory_space<vmem>>
      %dma_start3A_93 = arith.constant 0 : i32
      %dma_start3A_94 = tpu.memref_slice %arg14[%dma_start3A_93] : memref<10000xi32, #tpu.memory_space<vmem_shared>> -> memref<10000xi32, #tpu.memory_space<vmem_shared>>
      tpu.enqueue_indirect_dma source(%dma_start3A_94 : memref<10000xi32, #tpu.memory_space<vmem_shared>>) target(%dma_start3A_90 : memref<128xi32, #tpu.memory_space<vmem>>) offsets(%dma_start3A_92 : memref<128xi32, #tpu.memory_space<vmem>>) semaphore(%arg16 : memref<!tpu.dma_semaphore, #tpu.memory_space<semaphore_mem>>)
      %dma_start3A_95 = arith.constant 256 : i32
      %dma_start3A_96 = tpu.memref_slice %arg10[%dma_start3A_95] : memref<400xi32, #tpu.memory_space<vmem>> -> memref<128xi32, #tpu.memory_space<vmem>>
      %dma_start3A_97 = arith.constant 256 : i32
      %dma_start3A_98 = tpu.memref_slice %arg8[%dma_start3A_97] : memref<400xi32, #tpu.memory_space<vmem>> -> memref<128xi32, #tpu.memory_space<vmem>>
      %dma_start3A_99 = arith.constant 0 : i32
      %dma_start3A_100 = tpu.memref_slice %arg14[%dma_start3A_99] : memref<10000xi32, #tpu.memory_space<vmem_shared>> -> memref<10000xi32, #tpu.memory_space<vmem_shared>>
      tpu.enqueue_indirect_dma source(%dma_start3A_100 : memref<10000xi32, #tpu.memory_space<vmem_shared>>) target(%dma_start3A_96 : memref<128xi32, #tpu.memory_space<vmem>>) offsets(%dma_start3A_98 : memref<128xi32, #tpu.memory_space<vmem>>) semaphore(%arg16 : memref<!tpu.dma_semaphore, #tpu.memory_space<semaphore_mem>>)
      %dma_start3A_101 = arith.constant 384 : i32
      %dma_start3A_102 = tpu.memref_slice %arg10[%dma_start3A_101] : memref<400xi32, #tpu.memory_space<vmem>> -> memref<16xi32, #tpu.memory_space<vmem>>
      %dma_start3A_103 = arith.constant 384 : i32
      %dma_start3A_104 = tpu.memref_slice %arg8[%dma_start3A_103] : memref<400xi32, #tpu.memory_space<vmem>> -> memref<16xi32, #tpu.memory_space<vmem>>
      %dma_start3A_105 = arith.constant 0 : i32
      %dma_start3A_106 = tpu.memref_slice %arg14[%dma_start3A_105] : memref<10000xi32, #tpu.memory_space<vmem_shared>> -> memref<10000xi32, #tpu.memory_space<vmem_shared>>
      tpu.enqueue_indirect_dma source(%dma_start3A_106 : memref<10000xi32, #tpu.memory_space<vmem_shared>>) target(%dma_start3A_102 : memref<16xi32, #tpu.memory_space<vmem>>) offsets(%dma_start3A_104 : memref<16xi32, #tpu.memory_space<vmem>>) semaphore(%arg16 : memref<!tpu.dma_semaphore, #tpu.memory_space<semaphore_mem>>)
      %dma_start3A_107 = arith.constant 0 : i32
      %dma_start3A_108 = tpu.memref_slice %arg11[%dma_start3A_107] : memref<144xi32, #tpu.memory_space<vmem>> -> memref<64xi32, #tpu.memory_space<vmem>>
      %dma_start3A_109 = arith.constant 0 : i32
      %dma_start3A_110 = tpu.memref_slice %arg9[%dma_start3A_109] : memref<144xi32, #tpu.memory_space<vmem>> -> memref<64xi32, #tpu.memory_space<vmem>>
      %dma_start3A_111 = arith.constant 0 : i32
      %dma_start3A_112 = tpu.memref_slice %arg14[%dma_start3A_111] : memref<10000xi32, #tpu.memory_space<vmem_shared>> -> memref<10000xi32, #tpu.memory_space<vmem_shared>>
      tpu.enqueue_indirect_dma source(%dma_start3A_112 : memref<10000xi32, #tpu.memory_space<vmem_shared>>) target(%dma_start3A_108 : memref<64xi32, #tpu.memory_space<vmem>>) offsets(%dma_start3A_110 : memref<64xi32, #tpu.memory_space<vmem>>) semaphore(%arg16 : memref<!tpu.dma_semaphore, #tpu.memory_space<semaphore_mem>>)
      %dma_start3A_113 = arith.constant 64 : i32
      %dma_start3A_114 = tpu.memref_slice %arg11[%dma_start3A_113] : memref<144xi32, #tpu.memory_space<vmem>> -> memref<64xi32, #tpu.memory_space<vmem>>
      %dma_start3A_115 = arith.constant 64 : i32
      %dma_start3A_116 = tpu.memref_slice %arg9[%dma_start3A_115] : memref<144xi32, #tpu.memory_space<vmem>> -> memref<64xi32, #tpu.memory_space<vmem>>
      %dma_start3A_117 = arith.constant 0 : i32
      %dma_start3A_118 = tpu.memref_slice %arg14[%dma_start3A_117] : memref<10000xi32, #tpu.memory_space<vmem_shared>> -> memref<10000xi32, #tpu.memory_space<vmem_shared>>
      tpu.enqueue_indirect_dma source(%dma_start3A_118 : memref<10000xi32, #tpu.memory_space<vmem_shared>>) target(%dma_start3A_114 : memref<64xi32, #tpu.memory_space<vmem>>) offsets(%dma_start3A_116 : memref<64xi32, #tpu.memory_space<vmem>>) semaphore(%arg16 : memref<!tpu.dma_semaphore, #tpu.memory_space<semaphore_mem>>)
      %dma_start3A_119 = arith.constant 128 : i32
      %dma_start3A_120 = tpu.memref_slice %arg11[%dma_start3A_119] : memref<144xi32, #tpu.memory_space<vmem>> -> memref<16xi32, #tpu.memory_space<vmem>>
      %dma_start3A_121 = arith.constant 128 : i32
      %dma_start3A_122 = tpu.memref_slice %arg9[%dma_start3A_121] : memref<144xi32, #tpu.memory_space<vmem>> -> memref<16xi32, #tpu.memory_space<vmem>>
      %dma_start3A_123 = arith.constant 0 : i32
      %dma_start3A_124 = tpu.memref_slice %arg14[%dma_start3A_123] : memref<10000xi32, #tpu.memory_space<vmem_shared>> -> memref<10000xi32, #tpu.memory_space<vmem_shared>>
      tpu.enqueue_indirect_dma source(%dma_start3A_124 : memref<10000xi32, #tpu.memory_space<vmem_shared>>) target(%dma_start3A_120 : memref<16xi32, #tpu.memory_space<vmem>>) offsets(%dma_start3A_122 : memref<16xi32, #tpu.memory_space<vmem>>) semaphore(%arg16 : memref<!tpu.dma_semaphore, #tpu.memory_space<semaphore_mem>>)
      %dma_wait3A_125 = arith.constant 0 : i32
      %dma_wait3A_126 = tpu.memref_slice %arg10[%dma_wait3A_125] : memref<400xi32, #tpu.memory_space<vmem>> -> memref<128xi32, #tpu.memory_space<vmem>>
      %dma_wait3A_127 = arith.constant 0 : i32
      %dma_wait3A_128 = tpu.memref_slice %arg8[%dma_wait3A_127] : memref<400xi32, #tpu.memory_space<vmem>> -> memref<128xi32, #tpu.memory_space<vmem>>
      %dma_wait3A_129 = arith.constant 0 : i32
      %dma_wait3A_130 = tpu.memref_slice %arg14[%dma_wait3A_129] : memref<10000xi32, #tpu.memory_space<vmem_shared>> -> memref<10000xi32, #tpu.memory_space<vmem_shared>>
      tpu.wait_indirect_dma semaphore(%arg16 : memref<!tpu.dma_semaphore, #tpu.memory_space<semaphore_mem>>) src(%dma_wait3A_130 : memref<10000xi32, #tpu.memory_space<vmem_shared>>) dst(%dma_wait3A_126 : memref<128xi32, #tpu.memory_space<vmem>>)
      %dma_wait3A_131 = arith.constant 128 : i32
      %dma_wait3A_132 = tpu.memref_slice %arg10[%dma_wait3A_131] : memref<400xi32, #tpu.memory_space<vmem>> -> memref<128xi32, #tpu.memory_space<vmem>>
      %dma_wait3A_133 = arith.constant 128 : i32
      %dma_wait3A_134 = tpu.memref_slice %arg8[%dma_wait3A_133] : memref<400xi32, #tpu.memory_space<vmem>> -> memref<128xi32, #tpu.memory_space<vmem>>
      %dma_wait3A_135 = arith.constant 0 : i32
      %dma_wait3A_136 = tpu.memref_slice %arg14[%dma_wait3A_135] : memref<10000xi32, #tpu.memory_space<vmem_shared>> -> memref<10000xi32, #tpu.memory_space<vmem_shared>>
      tpu.wait_indirect_dma semaphore(%arg16 : memref<!tpu.dma_semaphore, #tpu.memory_space<semaphore_mem>>) src(%dma_wait3A_136 : memref<10000xi32, #tpu.memory_space<vmem_shared>>) dst(%dma_wait3A_132 : memref<128xi32, #tpu.memory_space<vmem>>)
      %dma_wait3A_137 = arith.constant 256 : i32
      %dma_wait3A_138 = tpu.memref_slice %arg10[%dma_wait3A_137] : memref<400xi32, #tpu.memory_space<vmem>> -> memref<128xi32, #tpu.memory_space<vmem>>
      %dma_wait3A_139 = arith.constant 256 : i32
      %dma_wait3A_140 = tpu.memref_slice %arg8[%dma_wait3A_139] : memref<400xi32, #tpu.memory_space<vmem>> -> memref<128xi32, #tpu.memory_space<vmem>>
      %dma_wait3A_141 = arith.constant 0 : i32
      %dma_wait3A_142 = tpu.memref_slice %arg14[%dma_wait3A_141] : memref<10000xi32, #tpu.memory_space<vmem_shared>> -> memref<10000xi32, #tpu.memory_space<vmem_shared>>
      tpu.wait_indirect_dma semaphore(%arg16 : memref<!tpu.dma_semaphore, #tpu.memory_space<semaphore_mem>>) src(%dma_wait3A_142 : memref<10000xi32, #tpu.memory_space<vmem_shared>>) dst(%dma_wait3A_138 : memref<128xi32, #tpu.memory_space<vmem>>)
      %dma_wait3A_143 = arith.constant 384 : i32
      %dma_wait3A_144 = tpu.memref_slice %arg10[%dma_wait3A_143] : memref<400xi32, #tpu.memory_space<vmem>> -> memref<16xi32, #tpu.memory_space<vmem>>
      %dma_wait3A_145 = arith.constant 384 : i32
      %dma_wait3A_146 = tpu.memref_slice %arg8[%dma_wait3A_145] : memref<400xi32, #tpu.memory_space<vmem>> -> memref<16xi32, #tpu.memory_space<vmem>>
      %dma_wait3A_147 = arith.constant 0 : i32
      %dma_wait3A_148 = tpu.memref_slice %arg14[%dma_wait3A_147] : memref<10000xi32, #tpu.memory_space<vmem_shared>> -> memref<10000xi32, #tpu.memory_space<vmem_shared>>
      tpu.wait_indirect_dma semaphore(%arg16 : memref<!tpu.dma_semaphore, #tpu.memory_space<semaphore_mem>>) src(%dma_wait3A_148 : memref<10000xi32, #tpu.memory_space<vmem_shared>>) dst(%dma_wait3A_144 : memref<16xi32, #tpu.memory_space<vmem>>)
      %dma_wait3A_149 = arith.constant 0 : i32
      %dma_wait3A_150 = tpu.memref_slice %arg11[%dma_wait3A_149] : memref<144xi32, #tpu.memory_space<vmem>> -> memref<64xi32, #tpu.memory_space<vmem>>
      %dma_wait3A_151 = arith.constant 0 : i32
      %dma_wait3A_152 = tpu.memref_slice %arg9[%dma_wait3A_151] : memref<144xi32, #tpu.memory_space<vmem>> -> memref<64xi32, #tpu.memory_space<vmem>>
      %dma_wait3A_153 = arith.constant 0 : i32
      %dma_wait3A_154 = tpu.memref_slice %arg14[%dma_wait3A_153] : memref<10000xi32, #tpu.memory_space<vmem_shared>> -> memref<10000xi32, #tpu.memory_space<vmem_shared>>
      tpu.wait_indirect_dma semaphore(%arg16 : memref<!tpu.dma_semaphore, #tpu.memory_space<semaphore_mem>>) src(%dma_wait3A_154 : memref<10000xi32, #tpu.memory_space<vmem_shared>>) dst(%dma_wait3A_150 : memref<64xi32, #tpu.memory_space<vmem>>)
      %dma_wait3A_155 = arith.constant 64 : i32
      %dma_wait3A_156 = tpu.memref_slice %arg11[%dma_wait3A_155] : memref<144xi32, #tpu.memory_space<vmem>> -> memref<64xi32, #tpu.memory_space<vmem>>
      %dma_wait3A_157 = arith.constant 64 : i32
      %dma_wait3A_158 = tpu.memref_slice %arg9[%dma_wait3A_157] : memref<144xi32, #tpu.memory_space<vmem>> -> memref<64xi32, #tpu.memory_space<vmem>>
      %dma_wait3A_159 = arith.constant 0 : i32
      %dma_wait3A_160 = tpu.memref_slice %arg14[%dma_wait3A_159] : memref<10000xi32, #tpu.memory_space<vmem_shared>> -> memref<10000xi32, #tpu.memory_space<vmem_shared>>
      tpu.wait_indirect_dma semaphore(%arg16 : memref<!tpu.dma_semaphore, #tpu.memory_space<semaphore_mem>>) src(%dma_wait3A_160 : memref<10000xi32, #tpu.memory_space<vmem_shared>>) dst(%dma_wait3A_156 : memref<64xi32, #tpu.memory_space<vmem>>)
      %dma_wait3A_161 = arith.constant 128 : i32
      %dma_wait3A_162 = tpu.memref_slice %arg11[%dma_wait3A_161] : memref<144xi32, #tpu.memory_space<vmem>> -> memref<16xi32, #tpu.memory_space<vmem>>
      %dma_wait3A_163 = arith.constant 128 : i32
      %dma_wait3A_164 = tpu.memref_slice %arg9[%dma_wait3A_163] : memref<144xi32, #tpu.memory_space<vmem>> -> memref<16xi32, #tpu.memory_space<vmem>>
      %dma_wait3A_165 = arith.constant 0 : i32
      %dma_wait3A_166 = tpu.memref_slice %arg14[%dma_wait3A_165] : memref<10000xi32, #tpu.memory_space<vmem_shared>> -> memref<10000xi32, #tpu.memory_space<vmem_shared>>
      tpu.wait_indirect_dma semaphore(%arg16 : memref<!tpu.dma_semaphore, #tpu.memory_space<semaphore_mem>>) src(%dma_wait3A_166 : memref<10000xi32, #tpu.memory_space<vmem_shared>>) dst(%dma_wait3A_162 : memref<16xi32, #tpu.memory_space<vmem>>)
      %dma_start3A_167 = arith.constant 0 : i32
      %dma_start3A_168 = arith.constant 0 : i32
      %dma_start3A_169 = tpu.memref_slice %arg12[%dma_start3A_167, %dma_start3A_168] : memref<400x128xf32, #tpu.memory_space<vmem>> -> memref<128x128xf32, #tpu.memory_space<vmem>>
      %dma_start3A_170 = arith.constant 0 : i32
      %dma_start3A_171 = tpu.memref_slice %arg10[%dma_start3A_170] : memref<400xi32, #tpu.memory_space<vmem>> -> memref<128xi32, #tpu.memory_space<vmem>>
      %dma_start3A_172 = arith.constant 0 : i32
      %dma_start3A_173 = arith.constant 0 : i32
      %dma_start3A_174 = tpu.memref_slice %arg2[%dma_start3A_172, %dma_start3A_173] : memref<100000x128xf32, #tpu.memory_space<hbm>> -> memref<100000x128xf32, #tpu.memory_space<hbm>>
      tpu.enqueue_indirect_dma source(%dma_start3A_174 : memref<100000x128xf32, #tpu.memory_space<hbm>>) target(%dma_start3A_169 : memref<128x128xf32, #tpu.memory_space<vmem>>) offsets(%dma_start3A_171 : memref<128xi32, #tpu.memory_space<vmem>>) semaphore(%arg17 : memref<!tpu.dma_semaphore, #tpu.memory_space<semaphore_mem>>)
      %dma_start3A_175 = arith.constant 128 : i32
      %dma_start3A_176 = arith.constant 0 : i32
      %dma_start3A_177 = tpu.memref_slice %arg12[%dma_start3A_175, %dma_start3A_176] : memref<400x128xf32, #tpu.memory_space<vmem>> -> memref<128x128xf32, #tpu.memory_space<vmem>>
      %dma_start3A_178 = arith.constant 128 : i32
      %dma_start3A_179 = tpu.memref_slice %arg10[%dma_start3A_178] : memref<400xi32, #tpu.memory_space<vmem>> -> memref<128xi32, #tpu.memory_space<vmem>>
      %dma_start3A_180 = arith.constant 0 : i32
      %dma_start3A_181 = arith.constant 0 : i32
      %dma_start3A_182 = tpu.memref_slice %arg2[%dma_start3A_180, %dma_start3A_181] : memref<100000x128xf32, #tpu.memory_space<hbm>> -> memref<100000x128xf32, #tpu.memory_space<hbm>>
      tpu.enqueue_indirect_dma source(%dma_start3A_182 : memref<100000x128xf32, #tpu.memory_space<hbm>>) target(%dma_start3A_177 : memref<128x128xf32, #tpu.memory_space<vmem>>) offsets(%dma_start3A_179 : memref<128xi32, #tpu.memory_space<vmem>>) semaphore(%arg17 : memref<!tpu.dma_semaphore, #tpu.memory_space<semaphore_mem>>)
      %dma_start3A_183 = arith.constant 256 : i32
      %dma_start3A_184 = arith.constant 0 : i32
      %dma_start3A_185 = tpu.memref_slice %arg12[%dma_start3A_183, %dma_start3A_184] : memref<400x128xf32, #tpu.memory_space<vmem>> -> memref<128x128xf32, #tpu.memory_space<vmem>>
      %dma_start3A_186 = arith.constant 256 : i32
      %dma_start3A_187 = tpu.memref_slice %arg10[%dma_start3A_186] : memref<400xi32, #tpu.memory_space<vmem>> -> memref<128xi32, #tpu.memory_space<vmem>>
      %dma_start3A_188 = arith.constant 0 : i32
      %dma_start3A_189 = arith.constant 0 : i32
      %dma_start3A_190 = tpu.memref_slice %arg2[%dma_start3A_188, %dma_start3A_189] : memref<100000x128xf32, #tpu.memory_space<hbm>> -> memref<100000x128xf32, #tpu.memory_space<hbm>>
      tpu.enqueue_indirect_dma source(%dma_start3A_190 : memref<100000x128xf32, #tpu.memory_space<hbm>>) target(%dma_start3A_185 : memref<128x128xf32, #tpu.memory_space<vmem>>) offsets(%dma_start3A_187 : memref<128xi32, #tpu.memory_space<vmem>>) semaphore(%arg17 : memref<!tpu.dma_semaphore, #tpu.memory_space<semaphore_mem>>)
      %dma_start3A_191 = arith.constant 384 : i32
      %dma_start3A_192 = arith.constant 0 : i32
      %dma_start3A_193 = tpu.memref_slice %arg12[%dma_start3A_191, %dma_start3A_192] : memref<400x128xf32, #tpu.memory_space<vmem>> -> memref<16x128xf32, #tpu.memory_space<vmem>>
      %dma_start3A_194 = arith.constant 384 : i32
      %dma_start3A_195 = tpu.memref_slice %arg10[%dma_start3A_194] : memref<400xi32, #tpu.memory_space<vmem>> -> memref<16xi32, #tpu.memory_space<vmem>>
      %dma_start3A_196 = arith.constant 0 : i32
      %dma_start3A_197 = arith.constant 0 : i32
      %dma_start3A_198 = tpu.memref_slice %arg2[%dma_start3A_196, %dma_start3A_197] : memref<100000x128xf32, #tpu.memory_space<hbm>> -> memref<100000x128xf32, #tpu.memory_space<hbm>>
      tpu.enqueue_indirect_dma source(%dma_start3A_198 : memref<100000x128xf32, #tpu.memory_space<hbm>>) target(%dma_start3A_193 : memref<16x128xf32, #tpu.memory_space<vmem>>) offsets(%dma_start3A_195 : memref<16xi32, #tpu.memory_space<vmem>>) semaphore(%arg17 : memref<!tpu.dma_semaphore, #tpu.memory_space<semaphore_mem>>)
      %dma_start3A_199 = arith.constant 0 : i32
      %dma_start3A_200 = arith.constant 0 : i32
      %dma_start3A_201 = tpu.memref_slice %arg13[%dma_start3A_199, %dma_start3A_200] : memref<144x128xf32, #tpu.memory_space<vmem>> -> memref<64x128xf32, #tpu.memory_space<vmem>>
      %dma_start3A_202 = arith.constant 0 : i32
      %dma_start3A_203 = tpu.memref_slice %arg11[%dma_start3A_202] : memref<144xi32, #tpu.memory_space<vmem>> -> memref<64xi32, #tpu.memory_space<vmem>>
      %dma_start3A_204 = arith.constant 0 : i32
      %dma_start3A_205 = arith.constant 0 : i32
      %dma_start3A_206 = tpu.memref_slice %arg2[%dma_start3A_204, %dma_start3A_205] : memref<100000x128xf32, #tpu.memory_space<hbm>> -> memref<100000x128xf32, #tpu.memory_space<hbm>>
      tpu.enqueue_indirect_dma source(%dma_start3A_206 : memref<100000x128xf32, #tpu.memory_space<hbm>>) target(%dma_start3A_201 : memref<64x128xf32, #tpu.memory_space<vmem>>) offsets(%dma_start3A_203 : memref<64xi32, #tpu.memory_space<vmem>>) semaphore(%arg17 : memref<!tpu.dma_semaphore, #tpu.memory_space<semaphore_mem>>)
      %dma_start3A_207 = arith.constant 64 : i32
      %dma_start3A_208 = arith.constant 0 : i32
      %dma_start3A_209 = tpu.memref_slice %arg13[%dma_start3A_207, %dma_start3A_208] : memref<144x128xf32, #tpu.memory_space<vmem>> -> memref<64x128xf32, #tpu.memory_space<vmem>>
      %dma_start3A_210 = arith.constant 64 : i32
      %dma_start3A_211 = tpu.memref_slice %arg11[%dma_start3A_210] : memref<144xi32, #tpu.memory_space<vmem>> -> memref<64xi32, #tpu.memory_space<vmem>>
      %dma_start3A_212 = arith.constant 0 : i32
      %dma_start3A_213 = arith.constant 0 : i32
      %dma_start3A_214 = tpu.memref_slice %arg2[%dma_start3A_212, %dma_start3A_213] : memref<100000x128xf32, #tpu.memory_space<hbm>> -> memref<100000x128xf32, #tpu.memory_space<hbm>>
      tpu.enqueue_indirect_dma source(%dma_start3A_214 : memref<100000x128xf32, #tpu.memory_space<hbm>>) target(%dma_start3A_209 : memref<64x128xf32, #tpu.memory_space<vmem>>) offsets(%dma_start3A_211 : memref<64xi32, #tpu.memory_space<vmem>>) semaphore(%arg17 : memref<!tpu.dma_semaphore, #tpu.memory_space<semaphore_mem>>)
      %dma_start3A_215 = arith.constant 128 : i32
      %dma_start3A_216 = arith.constant 0 : i32
      %dma_start3A_217 = tpu.memref_slice %arg13[%dma_start3A_215, %dma_start3A_216] : memref<144x128xf32, #tpu.memory_space<vmem>> -> memref<16x128xf32, #tpu.memory_space<vmem>>
      %dma_start3A_218 = arith.constant 128 : i32
      %dma_start3A_219 = tpu.memref_slice %arg11[%dma_start3A_218] : memref<144xi32, #tpu.memory_space<vmem>> -> memref<16xi32, #tpu.memory_space<vmem>>
      %dma_start3A_220 = arith.constant 0 : i32
      %dma_start3A_221 = arith.constant 0 : i32
      %dma_start3A_222 = tpu.memref_slice %arg2[%dma_start3A_220, %dma_start3A_221] : memref<100000x128xf32, #tpu.memory_space<hbm>> -> memref<100000x128xf32, #tpu.memory_space<hbm>>
      tpu.enqueue_indirect_dma source(%dma_start3A_222 : memref<100000x128xf32, #tpu.memory_space<hbm>>) target(%dma_start3A_217 : memref<16x128xf32, #tpu.memory_space<vmem>>) offsets(%dma_start3A_219 : memref<16xi32, #tpu.memory_space<vmem>>) semaphore(%arg17 : memref<!tpu.dma_semaphore, #tpu.memory_space<semaphore_mem>>)
      %dma_wait3A_223 = arith.constant 0 : i32
      %dma_wait3A_224 = arith.constant 0 : i32
      %dma_wait3A_225 = tpu.memref_slice %arg12[%dma_wait3A_223, %dma_wait3A_224] : memref<400x128xf32, #tpu.memory_space<vmem>> -> memref<128x128xf32, #tpu.memory_space<vmem>>
      %dma_wait3A_226 = arith.constant 0 : i32
      %dma_wait3A_227 = tpu.memref_slice %arg10[%dma_wait3A_226] : memref<400xi32, #tpu.memory_space<vmem>> -> memref<128xi32, #tpu.memory_space<vmem>>
      %dma_wait3A_228 = arith.constant 0 : i32
      %dma_wait3A_229 = arith.constant 0 : i32
      %dma_wait3A_230 = tpu.memref_slice %arg2[%dma_wait3A_228, %dma_wait3A_229] : memref<100000x128xf32, #tpu.memory_space<hbm>> -> memref<100000x128xf32, #tpu.memory_space<hbm>>
      tpu.wait_indirect_dma semaphore(%arg17 : memref<!tpu.dma_semaphore, #tpu.memory_space<semaphore_mem>>) src(%dma_wait3A_230 : memref<100000x128xf32, #tpu.memory_space<hbm>>) dst(%dma_wait3A_225 : memref<128x128xf32, #tpu.memory_space<vmem>>)
      %dma_wait3A_231 = arith.constant 128 : i32
      %dma_wait3A_232 = arith.constant 0 : i32
      %dma_wait3A_233 = tpu.memref_slice %arg12[%dma_wait3A_231, %dma_wait3A_232] : memref<400x128xf32, #tpu.memory_space<vmem>> -> memref<128x128xf32, #tpu.memory_space<vmem>>
      %dma_wait3A_234 = arith.constant 128 : i32
      %dma_wait3A_235 = tpu.memref_slice %arg10[%dma_wait3A_234] : memref<400xi32, #tpu.memory_space<vmem>> -> memref<128xi32, #tpu.memory_space<vmem>>
      %dma_wait3A_236 = arith.constant 0 : i32
      %dma_wait3A_237 = arith.constant 0 : i32
      %dma_wait3A_238 = tpu.memref_slice %arg2[%dma_wait3A_236, %dma_wait3A_237] : memref<100000x128xf32, #tpu.memory_space<hbm>> -> memref<100000x128xf32, #tpu.memory_space<hbm>>
      tpu.wait_indirect_dma semaphore(%arg17 : memref<!tpu.dma_semaphore, #tpu.memory_space<semaphore_mem>>) src(%dma_wait3A_238 : memref<100000x128xf32, #tpu.memory_space<hbm>>) dst(%dma_wait3A_233 : memref<128x128xf32, #tpu.memory_space<vmem>>)
      %dma_wait3A_239 = arith.constant 256 : i32
      %dma_wait3A_240 = arith.constant 0 : i32
      %dma_wait3A_241 = tpu.memref_slice %arg12[%dma_wait3A_239, %dma_wait3A_240] : memref<400x128xf32, #tpu.memory_space<vmem>> -> memref<128x128xf32, #tpu.memory_space<vmem>>
      %dma_wait3A_242 = arith.constant 256 : i32
      %dma_wait3A_243 = tpu.memref_slice %arg10[%dma_wait3A_242] : memref<400xi32, #tpu.memory_space<vmem>> -> memref<128xi32, #tpu.memory_space<vmem>>
      %dma_wait3A_244 = arith.constant 0 : i32
      %dma_wait3A_245 = arith.constant 0 : i32
      %dma_wait3A_246 = tpu.memref_slice %arg2[%dma_wait3A_244, %dma_wait3A_245] : memref<100000x128xf32, #tpu.memory_space<hbm>> -> memref<100000x128xf32, #tpu.memory_space<hbm>>
      tpu.wait_indirect_dma semaphore(%arg17 : memref<!tpu.dma_semaphore, #tpu.memory_space<semaphore_mem>>) src(%dma_wait3A_246 : memref<100000x128xf32, #tpu.memory_space<hbm>>) dst(%dma_wait3A_241 : memref<128x128xf32, #tpu.memory_space<vmem>>)
      %dma_wait3A_247 = arith.constant 384 : i32
      %dma_wait3A_248 = arith.constant 0 : i32
      %dma_wait3A_249 = tpu.memref_slice %arg12[%dma_wait3A_247, %dma_wait3A_248] : memref<400x128xf32, #tpu.memory_space<vmem>> -> memref<16x128xf32, #tpu.memory_space<vmem>>
      %dma_wait3A_250 = arith.constant 384 : i32
      %dma_wait3A_251 = tpu.memref_slice %arg10[%dma_wait3A_250] : memref<400xi32, #tpu.memory_space<vmem>> -> memref<16xi32, #tpu.memory_space<vmem>>
      %dma_wait3A_252 = arith.constant 0 : i32
      %dma_wait3A_253 = arith.constant 0 : i32
      %dma_wait3A_254 = tpu.memref_slice %arg2[%dma_wait3A_252, %dma_wait3A_253] : memref<100000x128xf32, #tpu.memory_space<hbm>> -> memref<100000x128xf32, #tpu.memory_space<hbm>>
      tpu.wait_indirect_dma semaphore(%arg17 : memref<!tpu.dma_semaphore, #tpu.memory_space<semaphore_mem>>) src(%dma_wait3A_254 : memref<100000x128xf32, #tpu.memory_space<hbm>>) dst(%dma_wait3A_249 : memref<16x128xf32, #tpu.memory_space<vmem>>)
      %dma_wait3A_255 = arith.constant 0 : i32
      %dma_wait3A_256 = arith.constant 0 : i32
      %dma_wait3A_257 = tpu.memref_slice %arg13[%dma_wait3A_255, %dma_wait3A_256] : memref<144x128xf32, #tpu.memory_space<vmem>> -> memref<64x128xf32, #tpu.memory_space<vmem>>
      %dma_wait3A_258 = arith.constant 0 : i32
      %dma_wait3A_259 = tpu.memref_slice %arg11[%dma_wait3A_258] : memref<144xi32, #tpu.memory_space<vmem>> -> memref<64xi32, #tpu.memory_space<vmem>>
      %dma_wait3A_260 = arith.constant 0 : i32
      %dma_wait3A_261 = arith.constant 0 : i32
      %dma_wait3A_262 = tpu.memref_slice %arg2[%dma_wait3A_260, %dma_wait3A_261] : memref<100000x128xf32, #tpu.memory_space<hbm>> -> memref<100000x128xf32, #tpu.memory_space<hbm>>
      tpu.wait_indirect_dma semaphore(%arg17 : memref<!tpu.dma_semaphore, #tpu.memory_space<semaphore_mem>>) src(%dma_wait3A_262 : memref<100000x128xf32, #tpu.memory_space<hbm>>) dst(%dma_wait3A_257 : memref<64x128xf32, #tpu.memory_space<vmem>>)
      %dma_wait3A_263 = arith.constant 64 : i32
      %dma_wait3A_264 = arith.constant 0 : i32
      %dma_wait3A_265 = tpu.memref_slice %arg13[%dma_wait3A_263, %dma_wait3A_264] : memref<144x128xf32, #tpu.memory_space<vmem>> -> memref<64x128xf32, #tpu.memory_space<vmem>>
      %dma_wait3A_266 = arith.constant 64 : i32
      %dma_wait3A_267 = tpu.memref_slice %arg11[%dma_wait3A_266] : memref<144xi32, #tpu.memory_space<vmem>> -> memref<64xi32, #tpu.memory_space<vmem>>
      %dma_wait3A_268 = arith.constant 0 : i32
      %dma_wait3A_269 = arith.constant 0 : i32
      %dma_wait3A_270 = tpu.memref_slice %arg2[%dma_wait3A_268, %dma_wait3A_269] : memref<100000x128xf32, #tpu.memory_space<hbm>> -> memref<100000x128xf32, #tpu.memory_space<hbm>>
      tpu.wait_indirect_dma semaphore(%arg17 : memref<!tpu.dma_semaphore, #tpu.memory_space<semaphore_mem>>) src(%dma_wait3A_270 : memref<100000x128xf32, #tpu.memory_space<hbm>>) dst(%dma_wait3A_265 : memref<64x128xf32, #tpu.memory_space<vmem>>)
      %dma_wait3A_271 = arith.constant 128 : i32
      %dma_wait3A_272 = arith.constant 0 : i32
      %dma_wait3A_273 = tpu.memref_slice %arg13[%dma_wait3A_271, %dma_wait3A_272] : memref<144x128xf32, #tpu.memory_space<vmem>> -> memref<16x128xf32, #tpu.memory_space<vmem>>
      %dma_wait3A_274 = arith.constant 128 : i32
      %dma_wait3A_275 = tpu.memref_slice %arg11[%dma_wait3A_274] : memref<144xi32, #tpu.memory_space<vmem>> -> memref<16xi32, #tpu.memory_space<vmem>>
      %dma_wait3A_276 = arith.constant 0 : i32
      %dma_wait3A_277 = arith.constant 0 : i32
      %dma_wait3A_278 = tpu.memref_slice %arg2[%dma_wait3A_276, %dma_wait3A_277] : memref<100000x128xf32, #tpu.memory_space<hbm>> -> memref<100000x128xf32, #tpu.memory_space<hbm>>
      tpu.wait_indirect_dma semaphore(%arg17 : memref<!tpu.dma_semaphore, #tpu.memory_space<semaphore_mem>>) src(%dma_wait3A_278 : memref<100000x128xf32, #tpu.memory_space<hbm>>) dst(%dma_wait3A_273 : memref<16x128xf32, #tpu.memory_space<vmem>>)
      %dma_start3A_279 = arith.constant 0 : i32
      %dma_start3A_280 = arith.constant 0 : i32
      %dma_start3A_281 = tpu.memref_slice %arg12[%dma_start3A_279, %dma_start3A_280] : memref<400x128xf32, #tpu.memory_space<vmem>> -> memref<384x128xf32, #tpu.memory_space<vmem>>
      %dma_start3A_282 = arith.constant 0 : i32
      %dma_start3A_283 = arith.constant 0 : i32
      %dma_start3A_284 = tpu.memref_slice %arg6[%dma_start3A_282, %dma_start3A_283] : memref<10000x128xf32, #tpu.memory_space<hbm>> -> memref<384x128xf32, #tpu.memory_space<hbm>>
      %dma_start3A_285 = arith.constant 0 : i32
      %dma_start3A_286 = arith.constant 0 : i32
      %dma_start3A_287 = tpu.memref_slice %arg6[%dma_start3A_285, %dma_start3A_286] : memref<10000x128xf32, #tpu.memory_space<hbm>> -> memref<384x128xf32, #tpu.memory_space<hbm>>
      %dma_start3A_288 = arith.constant 0 : i32
      %dma_start3A_289 = arith.constant 0 : i32
      %dma_start3A_290 = tpu.memref_slice %arg12[%dma_start3A_288, %dma_start3A_289] : memref<400x128xf32, #tpu.memory_space<vmem>> -> memref<384x128xf32, #tpu.memory_space<vmem>>
      tpu.enqueue_dma source(%dma_start3A_290 : memref<384x128xf32, #tpu.memory_space<vmem>>) target(%dma_start3A_287 : memref<384x128xf32, #tpu.memory_space<hbm>>) target_semaphore(%arg18 : memref<!tpu.dma_semaphore, #tpu.memory_space<semaphore_mem>>)
      %dma_start3A_291 = arith.constant 384 : i32
      %dma_start3A_292 = arith.constant 0 : i32
      %dma_start3A_293 = tpu.memref_slice %arg12[%dma_start3A_291, %dma_start3A_292] : memref<400x128xf32, #tpu.memory_space<vmem>> -> memref<16x128xf32, #tpu.memory_space<vmem>>
      %dma_start3A_294 = arith.constant 9984 : i32
      %dma_start3A_295 = arith.constant 0 : i32
      %dma_start3A_296 = tpu.memref_slice %arg6[%dma_start3A_294, %dma_start3A_295] : memref<10000x128xf32, #tpu.memory_space<hbm>> -> memref<16x128xf32, #tpu.memory_space<hbm>>
      %dma_start3A_297 = arith.constant 9984 : i32
      %dma_start3A_298 = arith.constant 0 : i32
      %dma_start3A_299 = tpu.memref_slice %arg6[%dma_start3A_297, %dma_start3A_298] : memref<10000x128xf32, #tpu.memory_space<hbm>> -> memref<16x128xf32, #tpu.memory_space<hbm>>
      %dma_start3A_300 = arith.constant 384 : i32
      %dma_start3A_301 = arith.constant 0 : i32
      %dma_start3A_302 = tpu.memref_slice %arg12[%dma_start3A_300, %dma_start3A_301] : memref<400x128xf32, #tpu.memory_space<vmem>> -> memref<16x128xf32, #tpu.memory_space<vmem>>
      tpu.enqueue_dma source(%dma_start3A_302 : memref<16x128xf32, #tpu.memory_space<vmem>>) target(%dma_start3A_299 : memref<16x128xf32, #tpu.memory_space<hbm>>) target_semaphore(%arg18 : memref<!tpu.dma_semaphore, #tpu.memory_space<semaphore_mem>>)
      %dma_start3A_303 = arith.constant 0 : i32
      %dma_start3A_304 = arith.constant 0 : i32
      %dma_start3A_305 = tpu.memref_slice %arg13[%dma_start3A_303, %dma_start3A_304] : memref<144x128xf32, #tpu.memory_space<vmem>> -> memref<64x128xf32, #tpu.memory_space<vmem>>
      %dma_start3A_306 = arith.constant 0 : i32
      %dma_start3A_307 = arith.constant 0 : i32
      %dma_start3A_308 = tpu.memref_slice %arg7[%dma_start3A_306, %dma_start3A_307] : memref<2000x128xf32, #tpu.memory_space<hbm>> -> memref<64x128xf32, #tpu.memory_space<hbm>>
      %dma_start3A_309 = arith.constant 0 : i32
      %dma_start3A_310 = arith.constant 0 : i32
      %dma_start3A_311 = tpu.memref_slice %arg7[%dma_start3A_309, %dma_start3A_310] : memref<2000x128xf32, #tpu.memory_space<hbm>> -> memref<64x128xf32, #tpu.memory_space<hbm>>
      %dma_start3A_312 = arith.constant 0 : i32
      %dma_start3A_313 = arith.constant 0 : i32
      %dma_start3A_314 = tpu.memref_slice %arg13[%dma_start3A_312, %dma_start3A_313] : memref<144x128xf32, #tpu.memory_space<vmem>> -> memref<64x128xf32, #tpu.memory_space<vmem>>
      tpu.enqueue_dma source(%dma_start3A_314 : memref<64x128xf32, #tpu.memory_space<vmem>>) target(%dma_start3A_311 : memref<64x128xf32, #tpu.memory_space<hbm>>) target_semaphore(%arg18 : memref<!tpu.dma_semaphore, #tpu.memory_space<semaphore_mem>>)
      %dma_start3A_315 = arith.constant 64 : i32
      %dma_start3A_316 = arith.constant 0 : i32
      %dma_start3A_317 = tpu.memref_slice %arg13[%dma_start3A_315, %dma_start3A_316] : memref<144x128xf32, #tpu.memory_space<vmem>> -> memref<80x128xf32, #tpu.memory_space<vmem>>
      %dma_start3A_318 = arith.constant 1920 : i32
      %dma_start3A_319 = arith.constant 0 : i32
      %dma_start3A_320 = tpu.memref_slice %arg7[%dma_start3A_318, %dma_start3A_319] : memref<2000x128xf32, #tpu.memory_space<hbm>> -> memref<80x128xf32, #tpu.memory_space<hbm>>
      %dma_start3A_321 = arith.constant 1920 : i32
      %dma_start3A_322 = arith.constant 0 : i32
      %dma_start3A_323 = tpu.memref_slice %arg7[%dma_start3A_321, %dma_start3A_322] : memref<2000x128xf32, #tpu.memory_space<hbm>> -> memref<80x128xf32, #tpu.memory_space<hbm>>
      %dma_start3A_324 = arith.constant 64 : i32
      %dma_start3A_325 = arith.constant 0 : i32
      %dma_start3A_326 = tpu.memref_slice %arg13[%dma_start3A_324, %dma_start3A_325] : memref<144x128xf32, #tpu.memory_space<vmem>> -> memref<80x128xf32, #tpu.memory_space<vmem>>
      tpu.enqueue_dma source(%dma_start3A_326 : memref<80x128xf32, #tpu.memory_space<vmem>>) target(%dma_start3A_323 : memref<80x128xf32, #tpu.memory_space<hbm>>) target_semaphore(%arg18 : memref<!tpu.dma_semaphore, #tpu.memory_space<semaphore_mem>>)
      %dma_wait3A_327 = arith.constant 0 : i32
      %dma_wait3A_328 = arith.constant 0 : i32
      %dma_wait3A_329 = tpu.memref_slice %arg12[%dma_wait3A_327, %dma_wait3A_328] : memref<400x128xf32, #tpu.memory_space<vmem>> -> memref<384x128xf32, #tpu.memory_space<vmem>>
      %dma_wait3A_330 = arith.constant 0 : i32
      %dma_wait3A_331 = arith.constant 0 : i32
      %dma_wait3A_332 = tpu.memref_slice %arg6[%dma_wait3A_330, %dma_wait3A_331] : memref<10000x128xf32, #tpu.memory_space<hbm>> -> memref<384x128xf32, #tpu.memory_space<hbm>>
      %dma_wait3A_333 = arith.constant 0 : i32
      %dma_wait3A_334 = arith.constant 0 : i32
      %dma_wait3A_335 = tpu.memref_slice %arg6[%dma_wait3A_333, %dma_wait3A_334] : memref<10000x128xf32, #tpu.memory_space<hbm>> -> memref<384x128xf32, #tpu.memory_space<hbm>>
      %dma_wait3A_336 = arith.constant 0 : i32
      %dma_wait3A_337 = arith.constant 0 : i32
      %dma_wait3A_338 = tpu.memref_slice %arg12[%dma_wait3A_336, %dma_wait3A_337] : memref<400x128xf32, #tpu.memory_space<vmem>> -> memref<384x128xf32, #tpu.memory_space<vmem>>
      tpu.wait_dma2 semaphore(%arg18 : memref<!tpu.dma_semaphore, #tpu.memory_space<semaphore_mem>>) src(%dma_wait3A_338 : memref<384x128xf32, #tpu.memory_space<vmem>>) dst(%dma_wait3A_335 : memref<384x128xf32, #tpu.memory_space<hbm>>)
      %dma_wait3A_339 = arith.constant 384 : i32
      %dma_wait3A_340 = arith.constant 0 : i32
      %dma_wait3A_341 = tpu.memref_slice %arg12[%dma_wait3A_339, %dma_wait3A_340] : memref<400x128xf32, #tpu.memory_space<vmem>> -> memref<16x128xf32, #tpu.memory_space<vmem>>
      %dma_wait3A_342 = arith.constant 9984 : i32
      %dma_wait3A_343 = arith.constant 0 : i32
      %dma_wait3A_344 = tpu.memref_slice %arg6[%dma_wait3A_342, %dma_wait3A_343] : memref<10000x128xf32, #tpu.memory_space<hbm>> -> memref<16x128xf32, #tpu.memory_space<hbm>>
      %dma_wait3A_345 = arith.constant 9984 : i32
      %dma_wait3A_346 = arith.constant 0 : i32
      %dma_wait3A_347 = tpu.memref_slice %arg6[%dma_wait3A_345, %dma_wait3A_346] : memref<10000x128xf32, #tpu.memory_space<hbm>> -> memref<16x128xf32, #tpu.memory_space<hbm>>
      %dma_wait3A_348 = arith.constant 384 : i32
      %dma_wait3A_349 = arith.constant 0 : i32
      %dma_wait3A_350 = tpu.memref_slice %arg12[%dma_wait3A_348, %dma_wait3A_349] : memref<400x128xf32, #tpu.memory_space<vmem>> -> memref<16x128xf32, #tpu.memory_space<vmem>>
      tpu.wait_dma2 semaphore(%arg18 : memref<!tpu.dma_semaphore, #tpu.memory_space<semaphore_mem>>) src(%dma_wait3A_350 : memref<16x128xf32, #tpu.memory_space<vmem>>) dst(%dma_wait3A_347 : memref<16x128xf32, #tpu.memory_space<hbm>>)
      %dma_wait3A_351 = arith.constant 0 : i32
      %dma_wait3A_352 = arith.constant 0 : i32
      %dma_wait3A_353 = tpu.memref_slice %arg13[%dma_wait3A_351, %dma_wait3A_352] : memref<144x128xf32, #tpu.memory_space<vmem>> -> memref<64x128xf32, #tpu.memory_space<vmem>>
      %dma_wait3A_354 = arith.constant 0 : i32
      %dma_wait3A_355 = arith.constant 0 : i32
      %dma_wait3A_356 = tpu.memref_slice %arg7[%dma_wait3A_354, %dma_wait3A_355] : memref<2000x128xf32, #tpu.memory_space<hbm>> -> memref<64x128xf32, #tpu.memory_space<hbm>>
      %dma_wait3A_357 = arith.constant 0 : i32
      %dma_wait3A_358 = arith.constant 0 : i32
      %dma_wait3A_359 = tpu.memref_slice %arg7[%dma_wait3A_357, %dma_wait3A_358] : memref<2000x128xf32, #tpu.memory_space<hbm>> -> memref<64x128xf32, #tpu.memory_space<hbm>>
      %dma_wait3A_360 = arith.constant 0 : i32
      %dma_wait3A_361 = arith.constant 0 : i32
      %dma_wait3A_362 = tpu.memref_slice %arg13[%dma_wait3A_360, %dma_wait3A_361] : memref<144x128xf32, #tpu.memory_space<vmem>> -> memref<64x128xf32, #tpu.memory_space<vmem>>
      tpu.wait_dma2 semaphore(%arg18 : memref<!tpu.dma_semaphore, #tpu.memory_space<semaphore_mem>>) src(%dma_wait3A_362 : memref<64x128xf32, #tpu.memory_space<vmem>>) dst(%dma_wait3A_359 : memref<64x128xf32, #tpu.memory_space<hbm>>)
      %dma_wait3A_363 = arith.constant 64 : i32
      %dma_wait3A_364 = arith.constant 0 : i32
      %dma_wait3A_365 = tpu.memref_slice %arg13[%dma_wait3A_363, %dma_wait3A_364] : memref<144x128xf32, #tpu.memory_space<vmem>> -> memref<80x128xf32, #tpu.memory_space<vmem>>
      %dma_wait3A_366 = arith.constant 1920 : i32
      %dma_wait3A_367 = arith.constant 0 : i32
      %dma_wait3A_368 = tpu.memref_slice %arg7[%dma_wait3A_366, %dma_wait3A_367] : memref<2000x128xf32, #tpu.memory_space<hbm>> -> memref<80x128xf32, #tpu.memory_space<hbm>>
      %dma_wait3A_369 = arith.constant 1920 : i32
      %dma_wait3A_370 = arith.constant 0 : i32
      %dma_wait3A_371 = tpu.memref_slice %arg7[%dma_wait3A_369, %dma_wait3A_370] : memref<2000x128xf32, #tpu.memory_space<hbm>> -> memref<80x128xf32, #tpu.memory_space<hbm>>
      %dma_wait3A_372 = arith.constant 64 : i32
      %dma_wait3A_373 = arith.constant 0 : i32
      %dma_wait3A_374 = tpu.memref_slice %arg13[%dma_wait3A_372, %dma_wait3A_373] : memref<144x128xf32, #tpu.memory_space<vmem>> -> memref<80x128xf32, #tpu.memory_space<vmem>>
      tpu.wait_dma2 semaphore(%arg18 : memref<!tpu.dma_semaphore, #tpu.memory_space<semaphore_mem>>) src(%dma_wait3A_374 : memref<80x128xf32, #tpu.memory_space<vmem>>) dst(%dma_wait3A_371 : memref<80x128xf32, #tpu.memory_space<hbm>>)
    } else {
    }
    %eq3A_9 = arith.constant 1 : i32
    %eq3A_10 = arith.cmpi eq, %arg0, %eq3A_9 : i32
    %ne3A = arith.constant 0 : i32
    %ne3A_11 = arith.cmpi ne, %arg1, %ne3A : i32
    %and3A_12 = arith.andi %eq3A_10, %ne3A_11 : i1
    %convert_element_type3A_13 = arith.extui %and3A_12 : i1 to i32
    %cond3A_14 = arith.constant 0 : i32
    %cond3A_15 = arith.cmpi ne, %convert_element_type3A_13, %cond3A_14 : i32
    scf.if %cond3A_15 {
      %mul3A = arith.constant 384 : i32
      %mul3A_21 = arith.muli %arg1, %mul3A : i32
      %mul3A_22 = arith.constant 64 : i32
      %mul3A_23 = arith.muli %arg1, %mul3A_22 : i32
      %multiple_of3A = tpu.assume_multiple %mul3A_21, 8 : i32
      %dma_start3A = arith.constant 0 : i32
      %dma_start3A_24 = tpu.memref_slice %arg8[%dma_start3A] : memref<400xi32, #tpu.memory_space<vmem>> -> memref<384xi32, #tpu.memory_space<vmem>>
      %dma_start3A_25 = tpu.memref_slice %arg4[%multiple_of3A] : memref<10000xi32, #tpu.memory_space<hbm>> -> memref<384xi32, #tpu.memory_space<hbm>>
      %dma_start3A_26 = arith.constant 0 : i32
      %dma_start3A_27 = tpu.memref_slice %arg8[%dma_start3A_26] : memref<400xi32, #tpu.memory_space<vmem>> -> memref<384xi32, #tpu.memory_space<vmem>>
      %dma_start3A_28 = tpu.memref_slice %arg4[%multiple_of3A] : memref<10000xi32, #tpu.memory_space<hbm>> -> memref<384xi32, #tpu.memory_space<hbm>>
      tpu.enqueue_dma source(%dma_start3A_28 : memref<384xi32, #tpu.memory_space<hbm>>) target(%dma_start3A_27 : memref<384xi32, #tpu.memory_space<vmem>>) target_semaphore(%arg15 : memref<!tpu.dma_semaphore, #tpu.memory_space<semaphore_mem>>)
      %multiple_of3A_29 = tpu.assume_multiple %mul3A_23, 8 : i32
      %dma_start3A_30 = arith.constant 0 : i32
      %dma_start3A_31 = tpu.memref_slice %arg9[%dma_start3A_30] : memref<144xi32, #tpu.memory_space<vmem>> -> memref<64xi32, #tpu.memory_space<vmem>>
      %dma_start3A_32 = tpu.memref_slice %arg5[%multiple_of3A_29] : memref<2000xi32, #tpu.memory_space<hbm>> -> memref<64xi32, #tpu.memory_space<hbm>>
      %dma_start3A_33 = arith.constant 0 : i32
      %dma_start3A_34 = tpu.memref_slice %arg9[%dma_start3A_33] : memref<144xi32, #tpu.memory_space<vmem>> -> memref<64xi32, #tpu.memory_space<vmem>>
      %dma_start3A_35 = tpu.memref_slice %arg5[%multiple_of3A_29] : memref<2000xi32, #tpu.memory_space<hbm>> -> memref<64xi32, #tpu.memory_space<hbm>>
      tpu.enqueue_dma source(%dma_start3A_35 : memref<64xi32, #tpu.memory_space<hbm>>) target(%dma_start3A_34 : memref<64xi32, #tpu.memory_space<vmem>>) target_semaphore(%arg15 : memref<!tpu.dma_semaphore, #tpu.memory_space<semaphore_mem>>)
      %dma_wait3A = arith.constant 0 : i32
      %dma_wait3A_36 = tpu.memref_slice %arg8[%dma_wait3A] : memref<400xi32, #tpu.memory_space<vmem>> -> memref<384xi32, #tpu.memory_space<vmem>>
      %dma_wait3A_37 = tpu.memref_slice %arg4[%multiple_of3A] : memref<10000xi32, #tpu.memory_space<hbm>> -> memref<384xi32, #tpu.memory_space<hbm>>
      %dma_wait3A_38 = arith.constant 0 : i32
      %dma_wait3A_39 = tpu.memref_slice %arg8[%dma_wait3A_38] : memref<400xi32, #tpu.memory_space<vmem>> -> memref<384xi32, #tpu.memory_space<vmem>>
      %dma_wait3A_40 = tpu.memref_slice %arg4[%multiple_of3A] : memref<10000xi32, #tpu.memory_space<hbm>> -> memref<384xi32, #tpu.memory_space<hbm>>
      tpu.wait_dma2 semaphore(%arg15 : memref<!tpu.dma_semaphore, #tpu.memory_space<semaphore_mem>>) src(%dma_wait3A_40 : memref<384xi32, #tpu.memory_space<hbm>>) dst(%dma_wait3A_39 : memref<384xi32, #tpu.memory_space<vmem>>)
      %dma_wait3A_41 = arith.constant 0 : i32
      %dma_wait3A_42 = tpu.memref_slice %arg9[%dma_wait3A_41] : memref<144xi32, #tpu.memory_space<vmem>> -> memref<64xi32, #tpu.memory_space<vmem>>
      %dma_wait3A_43 = tpu.memref_slice %arg5[%multiple_of3A_29] : memref<2000xi32, #tpu.memory_space<hbm>> -> memref<64xi32, #tpu.memory_space<hbm>>
      %dma_wait3A_44 = arith.constant 0 : i32
      %dma_wait3A_45 = tpu.memref_slice %arg9[%dma_wait3A_44] : memref<144xi32, #tpu.memory_space<vmem>> -> memref<64xi32, #tpu.memory_space<vmem>>
      %dma_wait3A_46 = tpu.memref_slice %arg5[%multiple_of3A_29] : memref<2000xi32, #tpu.memory_space<hbm>> -> memref<64xi32, #tpu.memory_space<hbm>>
      tpu.wait_dma2 semaphore(%arg15 : memref<!tpu.dma_semaphore, #tpu.memory_space<semaphore_mem>>) src(%dma_wait3A_46 : memref<64xi32, #tpu.memory_space<hbm>>) dst(%dma_wait3A_45 : memref<64xi32, #tpu.memory_space<vmem>>)
      %dma_start3A_47 = arith.constant 0 : i32
      %dma_start3A_48 = tpu.memref_slice %arg10[%dma_start3A_47] : memref<400xi32, #tpu.memory_space<vmem>> -> memref<128xi32, #tpu.memory_space<vmem>>
      %dma_start3A_49 = arith.constant 0 : i32
      %dma_start3A_50 = tpu.memref_slice %arg8[%dma_start3A_49] : memref<400xi32, #tpu.memory_space<vmem>> -> memref<128xi32, #tpu.memory_space<vmem>>
      %dma_start3A_51 = arith.constant 0 : i32
      %dma_start3A_52 = tpu.memref_slice %arg14[%dma_start3A_51] : memref<10000xi32, #tpu.memory_space<vmem_shared>> -> memref<10000xi32, #tpu.memory_space<vmem_shared>>
      tpu.enqueue_indirect_dma source(%dma_start3A_52 : memref<10000xi32, #tpu.memory_space<vmem_shared>>) target(%dma_start3A_48 : memref<128xi32, #tpu.memory_space<vmem>>) offsets(%dma_start3A_50 : memref<128xi32, #tpu.memory_space<vmem>>) semaphore(%arg16 : memref<!tpu.dma_semaphore, #tpu.memory_space<semaphore_mem>>)
      %dma_start3A_53 = arith.constant 128 : i32
      %dma_start3A_54 = tpu.memref_slice %arg10[%dma_start3A_53] : memref<400xi32, #tpu.memory_space<vmem>> -> memref<128xi32, #tpu.memory_space<vmem>>
      %dma_start3A_55 = arith.constant 128 : i32
      %dma_start3A_56 = tpu.memref_slice %arg8[%dma_start3A_55] : memref<400xi32, #tpu.memory_space<vmem>> -> memref<128xi32, #tpu.memory_space<vmem>>
      %dma_start3A_57 = arith.constant 0 : i32
      %dma_start3A_58 = tpu.memref_slice %arg14[%dma_start3A_57] : memref<10000xi32, #tpu.memory_space<vmem_shared>> -> memref<10000xi32, #tpu.memory_space<vmem_shared>>
      tpu.enqueue_indirect_dma source(%dma_start3A_58 : memref<10000xi32, #tpu.memory_space<vmem_shared>>) target(%dma_start3A_54 : memref<128xi32, #tpu.memory_space<vmem>>) offsets(%dma_start3A_56 : memref<128xi32, #tpu.memory_space<vmem>>) semaphore(%arg16 : memref<!tpu.dma_semaphore, #tpu.memory_space<semaphore_mem>>)
      %dma_start3A_59 = arith.constant 256 : i32
      %dma_start3A_60 = tpu.memref_slice %arg10[%dma_start3A_59] : memref<400xi32, #tpu.memory_space<vmem>> -> memref<128xi32, #tpu.memory_space<vmem>>
      %dma_start3A_61 = arith.constant 256 : i32
      %dma_start3A_62 = tpu.memref_slice %arg8[%dma_start3A_61] : memref<400xi32, #tpu.memory_space<vmem>> -> memref<128xi32, #tpu.memory_space<vmem>>
      %dma_start3A_63 = arith.constant 0 : i32
      %dma_start3A_64 = tpu.memref_slice %arg14[%dma_start3A_63] : memref<10000xi32, #tpu.memory_space<vmem_shared>> -> memref<10000xi32, #tpu.memory_space<vmem_shared>>
      tpu.enqueue_indirect_dma source(%dma_start3A_64 : memref<10000xi32, #tpu.memory_space<vmem_shared>>) target(%dma_start3A_60 : memref<128xi32, #tpu.memory_space<vmem>>) offsets(%dma_start3A_62 : memref<128xi32, #tpu.memory_space<vmem>>) semaphore(%arg16 : memref<!tpu.dma_semaphore, #tpu.memory_space<semaphore_mem>>)
      %dma_start3A_65 = arith.constant 0 : i32
      %dma_start3A_66 = tpu.memref_slice %arg11[%dma_start3A_65] : memref<144xi32, #tpu.memory_space<vmem>> -> memref<64xi32, #tpu.memory_space<vmem>>
      %dma_start3A_67 = arith.constant 0 : i32
      %dma_start3A_68 = tpu.memref_slice %arg9[%dma_start3A_67] : memref<144xi32, #tpu.memory_space<vmem>> -> memref<64xi32, #tpu.memory_space<vmem>>
      %dma_start3A_69 = arith.constant 0 : i32
      %dma_start3A_70 = tpu.memref_slice %arg14[%dma_start3A_69] : memref<10000xi32, #tpu.memory_space<vmem_shared>> -> memref<10000xi32, #tpu.memory_space<vmem_shared>>
      tpu.enqueue_indirect_dma source(%dma_start3A_70 : memref<10000xi32, #tpu.memory_space<vmem_shared>>) target(%dma_start3A_66 : memref<64xi32, #tpu.memory_space<vmem>>) offsets(%dma_start3A_68 : memref<64xi32, #tpu.memory_space<vmem>>) semaphore(%arg16 : memref<!tpu.dma_semaphore, #tpu.memory_space<semaphore_mem>>)
      %dma_wait3A_71 = arith.constant 0 : i32
      %dma_wait3A_72 = tpu.memref_slice %arg10[%dma_wait3A_71] : memref<400xi32, #tpu.memory_space<vmem>> -> memref<128xi32, #tpu.memory_space<vmem>>
      %dma_wait3A_73 = arith.constant 0 : i32
      %dma_wait3A_74 = tpu.memref_slice %arg8[%dma_wait3A_73] : memref<400xi32, #tpu.memory_space<vmem>> -> memref<128xi32, #tpu.memory_space<vmem>>
      %dma_wait3A_75 = arith.constant 0 : i32
      %dma_wait3A_76 = tpu.memref_slice %arg14[%dma_wait3A_75] : memref<10000xi32, #tpu.memory_space<vmem_shared>> -> memref<10000xi32, #tpu.memory_space<vmem_shared>>
      tpu.wait_indirect_dma semaphore(%arg16 : memref<!tpu.dma_semaphore, #tpu.memory_space<semaphore_mem>>) src(%dma_wait3A_76 : memref<10000xi32, #tpu.memory_space<vmem_shared>>) dst(%dma_wait3A_72 : memref<128xi32, #tpu.memory_space<vmem>>)
      %dma_wait3A_77 = arith.constant 128 : i32
      %dma_wait3A_78 = tpu.memref_slice %arg10[%dma_wait3A_77] : memref<400xi32, #tpu.memory_space<vmem>> -> memref<128xi32, #tpu.memory_space<vmem>>
      %dma_wait3A_79 = arith.constant 128 : i32
      %dma_wait3A_80 = tpu.memref_slice %arg8[%dma_wait3A_79] : memref<400xi32, #tpu.memory_space<vmem>> -> memref<128xi32, #tpu.memory_space<vmem>>
      %dma_wait3A_81 = arith.constant 0 : i32
      %dma_wait3A_82 = tpu.memref_slice %arg14[%dma_wait3A_81] : memref<10000xi32, #tpu.memory_space<vmem_shared>> -> memref<10000xi32, #tpu.memory_space<vmem_shared>>
      tpu.wait_indirect_dma semaphore(%arg16 : memref<!tpu.dma_semaphore, #tpu.memory_space<semaphore_mem>>) src(%dma_wait3A_82 : memref<10000xi32, #tpu.memory_space<vmem_shared>>) dst(%dma_wait3A_78 : memref<128xi32, #tpu.memory_space<vmem>>)
      %dma_wait3A_83 = arith.constant 256 : i32
      %dma_wait3A_84 = tpu.memref_slice %arg10[%dma_wait3A_83] : memref<400xi32, #tpu.memory_space<vmem>> -> memref<128xi32, #tpu.memory_space<vmem>>
      %dma_wait3A_85 = arith.constant 256 : i32
      %dma_wait3A_86 = tpu.memref_slice %arg8[%dma_wait3A_85] : memref<400xi32, #tpu.memory_space<vmem>> -> memref<128xi32, #tpu.memory_space<vmem>>
      %dma_wait3A_87 = arith.constant 0 : i32
      %dma_wait3A_88 = tpu.memref_slice %arg14[%dma_wait3A_87] : memref<10000xi32, #tpu.memory_space<vmem_shared>> -> memref<10000xi32, #tpu.memory_space<vmem_shared>>
      tpu.wait_indirect_dma semaphore(%arg16 : memref<!tpu.dma_semaphore, #tpu.memory_space<semaphore_mem>>) src(%dma_wait3A_88 : memref<10000xi32, #tpu.memory_space<vmem_shared>>) dst(%dma_wait3A_84 : memref<128xi32, #tpu.memory_space<vmem>>)
      %dma_wait3A_89 = arith.constant 0 : i32
      %dma_wait3A_90 = tpu.memref_slice %arg11[%dma_wait3A_89] : memref<144xi32, #tpu.memory_space<vmem>> -> memref<64xi32, #tpu.memory_space<vmem>>
      %dma_wait3A_91 = arith.constant 0 : i32
      %dma_wait3A_92 = tpu.memref_slice %arg9[%dma_wait3A_91] : memref<144xi32, #tpu.memory_space<vmem>> -> memref<64xi32, #tpu.memory_space<vmem>>
      %dma_wait3A_93 = arith.constant 0 : i32
      %dma_wait3A_94 = tpu.memref_slice %arg14[%dma_wait3A_93] : memref<10000xi32, #tpu.memory_space<vmem_shared>> -> memref<10000xi32, #tpu.memory_space<vmem_shared>>
      tpu.wait_indirect_dma semaphore(%arg16 : memref<!tpu.dma_semaphore, #tpu.memory_space<semaphore_mem>>) src(%dma_wait3A_94 : memref<10000xi32, #tpu.memory_space<vmem_shared>>) dst(%dma_wait3A_90 : memref<64xi32, #tpu.memory_space<vmem>>)
      %dma_start3A_95 = arith.constant 0 : i32
      %dma_start3A_96 = arith.constant 0 : i32
      %dma_start3A_97 = tpu.memref_slice %arg12[%dma_start3A_95, %dma_start3A_96] : memref<400x128xf32, #tpu.memory_space<vmem>> -> memref<128x128xf32, #tpu.memory_space<vmem>>
      %dma_start3A_98 = arith.constant 0 : i32
      %dma_start3A_99 = tpu.memref_slice %arg10[%dma_start3A_98] : memref<400xi32, #tpu.memory_space<vmem>> -> memref<128xi32, #tpu.memory_space<vmem>>
      %dma_start3A_100 = arith.constant 0 : i32
      %dma_start3A_101 = arith.constant 0 : i32
      %dma_start3A_102 = tpu.memref_slice %arg2[%dma_start3A_100, %dma_start3A_101] : memref<100000x128xf32, #tpu.memory_space<hbm>> -> memref<100000x128xf32, #tpu.memory_space<hbm>>
      tpu.enqueue_indirect_dma source(%dma_start3A_102 : memref<100000x128xf32, #tpu.memory_space<hbm>>) target(%dma_start3A_97 : memref<128x128xf32, #tpu.memory_space<vmem>>) offsets(%dma_start3A_99 : memref<128xi32, #tpu.memory_space<vmem>>) semaphore(%arg17 : memref<!tpu.dma_semaphore, #tpu.memory_space<semaphore_mem>>)
      %dma_start3A_103 = arith.constant 128 : i32
      %dma_start3A_104 = arith.constant 0 : i32
      %dma_start3A_105 = tpu.memref_slice %arg12[%dma_start3A_103, %dma_start3A_104] : memref<400x128xf32, #tpu.memory_space<vmem>> -> memref<128x128xf32, #tpu.memory_space<vmem>>
      %dma_start3A_106 = arith.constant 128 : i32
      %dma_start3A_107 = tpu.memref_slice %arg10[%dma_start3A_106] : memref<400xi32, #tpu.memory_space<vmem>> -> memref<128xi32, #tpu.memory_space<vmem>>
      %dma_start3A_108 = arith.constant 0 : i32
      %dma_start3A_109 = arith.constant 0 : i32
      %dma_start3A_110 = tpu.memref_slice %arg2[%dma_start3A_108, %dma_start3A_109] : memref<100000x128xf32, #tpu.memory_space<hbm>> -> memref<100000x128xf32, #tpu.memory_space<hbm>>
      tpu.enqueue_indirect_dma source(%dma_start3A_110 : memref<100000x128xf32, #tpu.memory_space<hbm>>) target(%dma_start3A_105 : memref<128x128xf32, #tpu.memory_space<vmem>>) offsets(%dma_start3A_107 : memref<128xi32, #tpu.memory_space<vmem>>) semaphore(%arg17 : memref<!tpu.dma_semaphore, #tpu.memory_space<semaphore_mem>>)
      %dma_start3A_111 = arith.constant 256 : i32
      %dma_start3A_112 = arith.constant 0 : i32
      %dma_start3A_113 = tpu.memref_slice %arg12[%dma_start3A_111, %dma_start3A_112] : memref<400x128xf32, #tpu.memory_space<vmem>> -> memref<128x128xf32, #tpu.memory_space<vmem>>
      %dma_start3A_114 = arith.constant 256 : i32
      %dma_start3A_115 = tpu.memref_slice %arg10[%dma_start3A_114] : memref<400xi32, #tpu.memory_space<vmem>> -> memref<128xi32, #tpu.memory_space<vmem>>
      %dma_start3A_116 = arith.constant 0 : i32
      %dma_start3A_117 = arith.constant 0 : i32
      %dma_start3A_118 = tpu.memref_slice %arg2[%dma_start3A_116, %dma_start3A_117] : memref<100000x128xf32, #tpu.memory_space<hbm>> -> memref<100000x128xf32, #tpu.memory_space<hbm>>
      tpu.enqueue_indirect_dma source(%dma_start3A_118 : memref<100000x128xf32, #tpu.memory_space<hbm>>) target(%dma_start3A_113 : memref<128x128xf32, #tpu.memory_space<vmem>>) offsets(%dma_start3A_115 : memref<128xi32, #tpu.memory_space<vmem>>) semaphore(%arg17 : memref<!tpu.dma_semaphore, #tpu.memory_space<semaphore_mem>>)
      %dma_start3A_119 = arith.constant 0 : i32
      %dma_start3A_120 = arith.constant 0 : i32
      %dma_start3A_121 = tpu.memref_slice %arg13[%dma_start3A_119, %dma_start3A_120] : memref<144x128xf32, #tpu.memory_space<vmem>> -> memref<64x128xf32, #tpu.memory_space<vmem>>
      %dma_start3A_122 = arith.constant 0 : i32
      %dma_start3A_123 = tpu.memref_slice %arg11[%dma_start3A_122] : memref<144xi32, #tpu.memory_space<vmem>> -> memref<64xi32, #tpu.memory_space<vmem>>
      %dma_start3A_124 = arith.constant 0 : i32
      %dma_start3A_125 = arith.constant 0 : i32
      %dma_start3A_126 = tpu.memref_slice %arg2[%dma_start3A_124, %dma_start3A_125] : memref<100000x128xf32, #tpu.memory_space<hbm>> -> memref<100000x128xf32, #tpu.memory_space<hbm>>
      tpu.enqueue_indirect_dma source(%dma_start3A_126 : memref<100000x128xf32, #tpu.memory_space<hbm>>) target(%dma_start3A_121 : memref<64x128xf32, #tpu.memory_space<vmem>>) offsets(%dma_start3A_123 : memref<64xi32, #tpu.memory_space<vmem>>) semaphore(%arg17 : memref<!tpu.dma_semaphore, #tpu.memory_space<semaphore_mem>>)
      %dma_wait3A_127 = arith.constant 0 : i32
      %dma_wait3A_128 = arith.constant 0 : i32
      %dma_wait3A_129 = tpu.memref_slice %arg12[%dma_wait3A_127, %dma_wait3A_128] : memref<400x128xf32, #tpu.memory_space<vmem>> -> memref<128x128xf32, #tpu.memory_space<vmem>>
      %dma_wait3A_130 = arith.constant 0 : i32
      %dma_wait3A_131 = tpu.memref_slice %arg10[%dma_wait3A_130] : memref<400xi32, #tpu.memory_space<vmem>> -> memref<128xi32, #tpu.memory_space<vmem>>
      %dma_wait3A_132 = arith.constant 0 : i32
      %dma_wait3A_133 = arith.constant 0 : i32
      %dma_wait3A_134 = tpu.memref_slice %arg2[%dma_wait3A_132, %dma_wait3A_133] : memref<100000x128xf32, #tpu.memory_space<hbm>> -> memref<100000x128xf32, #tpu.memory_space<hbm>>
      tpu.wait_indirect_dma semaphore(%arg17 : memref<!tpu.dma_semaphore, #tpu.memory_space<semaphore_mem>>) src(%dma_wait3A_134 : memref<100000x128xf32, #tpu.memory_space<hbm>>) dst(%dma_wait3A_129 : memref<128x128xf32, #tpu.memory_space<vmem>>)
      %dma_wait3A_135 = arith.constant 128 : i32
      %dma_wait3A_136 = arith.constant 0 : i32
      %dma_wait3A_137 = tpu.memref_slice %arg12[%dma_wait3A_135, %dma_wait3A_136] : memref<400x128xf32, #tpu.memory_space<vmem>> -> memref<128x128xf32, #tpu.memory_space<vmem>>
      %dma_wait3A_138 = arith.constant 128 : i32
      %dma_wait3A_139 = tpu.memref_slice %arg10[%dma_wait3A_138] : memref<400xi32, #tpu.memory_space<vmem>> -> memref<128xi32, #tpu.memory_space<vmem>>
      %dma_wait3A_140 = arith.constant 0 : i32
      %dma_wait3A_141 = arith.constant 0 : i32
      %dma_wait3A_142 = tpu.memref_slice %arg2[%dma_wait3A_140, %dma_wait3A_141] : memref<100000x128xf32, #tpu.memory_space<hbm>> -> memref<100000x128xf32, #tpu.memory_space<hbm>>
      tpu.wait_indirect_dma semaphore(%arg17 : memref<!tpu.dma_semaphore, #tpu.memory_space<semaphore_mem>>) src(%dma_wait3A_142 : memref<100000x128xf32, #tpu.memory_space<hbm>>) dst(%dma_wait3A_137 : memref<128x128xf32, #tpu.memory_space<vmem>>)
      %dma_wait3A_143 = arith.constant 256 : i32
      %dma_wait3A_144 = arith.constant 0 : i32
      %dma_wait3A_145 = tpu.memref_slice %arg12[%dma_wait3A_143, %dma_wait3A_144] : memref<400x128xf32, #tpu.memory_space<vmem>> -> memref<128x128xf32, #tpu.memory_space<vmem>>
      %dma_wait3A_146 = arith.constant 256 : i32
      %dma_wait3A_147 = tpu.memref_slice %arg10[%dma_wait3A_146] : memref<400xi32, #tpu.memory_space<vmem>> -> memref<128xi32, #tpu.memory_space<vmem>>
      %dma_wait3A_148 = arith.constant 0 : i32
      %dma_wait3A_149 = arith.constant 0 : i32
      %dma_wait3A_150 = tpu.memref_slice %arg2[%dma_wait3A_148, %dma_wait3A_149] : memref<100000x128xf32, #tpu.memory_space<hbm>> -> memref<100000x128xf32, #tpu.memory_space<hbm>>
      tpu.wait_indirect_dma semaphore(%arg17 : memref<!tpu.dma_semaphore, #tpu.memory_space<semaphore_mem>>) src(%dma_wait3A_150 : memref<100000x128xf32, #tpu.memory_space<hbm>>) dst(%dma_wait3A_145 : memref<128x128xf32, #tpu.memory_space<vmem>>)
      %dma_wait3A_151 = arith.constant 0 : i32
      %dma_wait3A_152 = arith.constant 0 : i32
      %dma_wait3A_153 = tpu.memref_slice %arg13[%dma_wait3A_151, %dma_wait3A_152] : memref<144x128xf32, #tpu.memory_space<vmem>> -> memref<64x128xf32, #tpu.memory_space<vmem>>
      %dma_wait3A_154 = arith.constant 0 : i32
      %dma_wait3A_155 = tpu.memref_slice %arg11[%dma_wait3A_154] : memref<144xi32, #tpu.memory_space<vmem>> -> memref<64xi32, #tpu.memory_space<vmem>>
      %dma_wait3A_156 = arith.constant 0 : i32
      %dma_wait3A_157 = arith.constant 0 : i32
      %dma_wait3A_158 = tpu.memref_slice %arg2[%dma_wait3A_156, %dma_wait3A_157] : memref<100000x128xf32, #tpu.memory_space<hbm>> -> memref<100000x128xf32, #tpu.memory_space<hbm>>
      tpu.wait_indirect_dma semaphore(%arg17 : memref<!tpu.dma_semaphore, #tpu.memory_space<semaphore_mem>>) src(%dma_wait3A_158 : memref<100000x128xf32, #tpu.memory_space<hbm>>) dst(%dma_wait3A_153 : memref<64x128xf32, #tpu.memory_space<vmem>>)
      %dma_start3A_159 = arith.constant 0 : i32
      %dma_start3A_160 = arith.constant 0 : i32
      %dma_start3A_161 = tpu.memref_slice %arg12[%dma_start3A_159, %dma_start3A_160] : memref<400x128xf32, #tpu.memory_space<vmem>> -> memref<384x128xf32, #tpu.memory_space<vmem>>
      %dma_start3A_162 = arith.constant 0 : i32
      %dma_start3A_163 = tpu.memref_slice %arg6[%mul3A_21, %dma_start3A_162] : memref<10000x128xf32, #tpu.memory_space<hbm>> -> memref<384x128xf32, #tpu.memory_space<hbm>>
      %dma_start3A_164 = arith.constant 0 : i32
      %dma_start3A_165 = tpu.memref_slice %arg6[%mul3A_21, %dma_start3A_164] : memref<10000x128xf32, #tpu.memory_space<hbm>> -> memref<384x128xf32, #tpu.memory_space<hbm>>
      %dma_start3A_166 = arith.constant 0 : i32
      %dma_start3A_167 = arith.constant 0 : i32
      %dma_start3A_168 = tpu.memref_slice %arg12[%dma_start3A_166, %dma_start3A_167] : memref<400x128xf32, #tpu.memory_space<vmem>> -> memref<384x128xf32, #tpu.memory_space<vmem>>
      tpu.enqueue_dma source(%dma_start3A_168 : memref<384x128xf32, #tpu.memory_space<vmem>>) target(%dma_start3A_165 : memref<384x128xf32, #tpu.memory_space<hbm>>) target_semaphore(%arg18 : memref<!tpu.dma_semaphore, #tpu.memory_space<semaphore_mem>>)
      %dma_start3A_169 = arith.constant 0 : i32
      %dma_start3A_170 = arith.constant 0 : i32
      %dma_start3A_171 = tpu.memref_slice %arg13[%dma_start3A_169, %dma_start3A_170] : memref<144x128xf32, #tpu.memory_space<vmem>> -> memref<64x128xf32, #tpu.memory_space<vmem>>
      %dma_start3A_172 = arith.constant 0 : i32
      %dma_start3A_173 = tpu.memref_slice %arg7[%mul3A_23, %dma_start3A_172] : memref<2000x128xf32, #tpu.memory_space<hbm>> -> memref<64x128xf32, #tpu.memory_space<hbm>>
      %dma_start3A_174 = arith.constant 0 : i32
      %dma_start3A_175 = tpu.memref_slice %arg7[%mul3A_23, %dma_start3A_174] : memref<2000x128xf32, #tpu.memory_space<hbm>> -> memref<64x128xf32, #tpu.memory_space<hbm>>
      %dma_start3A_176 = arith.constant 0 : i32
      %dma_start3A_177 = arith.constant 0 : i32
      %dma_start3A_178 = tpu.memref_slice %arg13[%dma_start3A_176, %dma_start3A_177] : memref<144x128xf32, #tpu.memory_space<vmem>> -> memref<64x128xf32, #tpu.memory_space<vmem>>
      tpu.enqueue_dma source(%dma_start3A_178 : memref<64x128xf32, #tpu.memory_space<vmem>>) target(%dma_start3A_175 : memref<64x128xf32, #tpu.memory_space<hbm>>) target_semaphore(%arg18 : memref<!tpu.dma_semaphore, #tpu.memory_space<semaphore_mem>>)
      %dma_wait3A_179 = arith.constant 0 : i32
      %dma_wait3A_180 = arith.constant 0 : i32
      %dma_wait3A_181 = tpu.memref_slice %arg12[%dma_wait3A_179, %dma_wait3A_180] : memref<400x128xf32, #tpu.memory_space<vmem>> -> memref<384x128xf32, #tpu.memory_space<vmem>>
      %dma_wait3A_182 = arith.constant 0 : i32
      %dma_wait3A_183 = tpu.memref_slice %arg6[%mul3A_21, %dma_wait3A_182] : memref<10000x128xf32, #tpu.memory_space<hbm>> -> memref<384x128xf32, #tpu.memory_space<hbm>>
      %dma_wait3A_184 = arith.constant 0 : i32
      %dma_wait3A_185 = tpu.memref_slice %arg6[%mul3A_21, %dma_wait3A_184] : memref<10000x128xf32, #tpu.memory_space<hbm>> -> memref<384x128xf32, #tpu.memory_space<hbm>>
      %dma_wait3A_186 = arith.constant 0 : i32
      %dma_wait3A_187 = arith.constant 0 : i32
      %dma_wait3A_188 = tpu.memref_slice %arg12[%dma_wait3A_186, %dma_wait3A_187] : memref<400x128xf32, #tpu.memory_space<vmem>> -> memref<384x128xf32, #tpu.memory_space<vmem>>
      tpu.wait_dma2 semaphore(%arg18 : memref<!tpu.dma_semaphore, #tpu.memory_space<semaphore_mem>>) src(%dma_wait3A_188 : memref<384x128xf32, #tpu.memory_space<vmem>>) dst(%dma_wait3A_185 : memref<384x128xf32, #tpu.memory_space<hbm>>)
      %dma_wait3A_189 = arith.constant 0 : i32
      %dma_wait3A_190 = arith.constant 0 : i32
      %dma_wait3A_191 = tpu.memref_slice %arg13[%dma_wait3A_189, %dma_wait3A_190] : memref<144x128xf32, #tpu.memory_space<vmem>> -> memref<64x128xf32, #tpu.memory_space<vmem>>
      %dma_wait3A_192 = arith.constant 0 : i32
      %dma_wait3A_193 = tpu.memref_slice %arg7[%mul3A_23, %dma_wait3A_192] : memref<2000x128xf32, #tpu.memory_space<hbm>> -> memref<64x128xf32, #tpu.memory_space<hbm>>
      %dma_wait3A_194 = arith.constant 0 : i32
      %dma_wait3A_195 = tpu.memref_slice %arg7[%mul3A_23, %dma_wait3A_194] : memref<2000x128xf32, #tpu.memory_space<hbm>> -> memref<64x128xf32, #tpu.memory_space<hbm>>
      %dma_wait3A_196 = arith.constant 0 : i32
      %dma_wait3A_197 = arith.constant 0 : i32
      %dma_wait3A_198 = tpu.memref_slice %arg13[%dma_wait3A_196, %dma_wait3A_197] : memref<144x128xf32, #tpu.memory_space<vmem>> -> memref<64x128xf32, #tpu.memory_space<vmem>>
      tpu.wait_dma2 semaphore(%arg18 : memref<!tpu.dma_semaphore, #tpu.memory_space<semaphore_mem>>) src(%dma_wait3A_198 : memref<64x128xf32, #tpu.memory_space<vmem>>) dst(%dma_wait3A_195 : memref<64x128xf32, #tpu.memory_space<hbm>>)
    } else {
    }
    %ne3A_16 = arith.constant 1 : i32
    %ne3A_17 = arith.cmpi ne, %arg0, %ne3A_16 : i32
    %convert_element_type3A_18 = arith.extui %ne3A_17 : i1 to i32
    %cond3A_19 = arith.constant 0 : i32
    %cond3A_20 = arith.cmpi ne, %convert_element_type3A_18, %cond3A_19 : i32
    scf.if %cond3A_20 {
      %mul3A = arith.constant 240 : i32
      %mul3A_21 = arith.muli %arg1, %mul3A : i32
      %add3A = arith.constant 6144 : i32
      %add3A_22 = arith.addi %add3A, %mul3A_21 : i32
      %mul3A_23 = arith.constant 56 : i32
      %mul3A_24 = arith.muli %arg1, %mul3A_23 : i32
      %add3A_25 = arith.constant 1024 : i32
      %add3A_26 = arith.addi %add3A_25, %mul3A_24 : i32
      %multiple_of3A = tpu.assume_multiple %add3A_22, 8 : i32
      %dma_start3A = arith.constant 0 : i32
      %dma_start3A_27 = tpu.memref_slice %arg8[%dma_start3A] : memref<400xi32, #tpu.memory_space<vmem>> -> memref<240xi32, #tpu.memory_space<vmem>>
      %dma_start3A_28 = tpu.memref_slice %arg4[%multiple_of3A] : memref<10000xi32, #tpu.memory_space<hbm>> -> memref<240xi32, #tpu.memory_space<hbm>>
      %dma_start3A_29 = arith.constant 0 : i32
      %dma_start3A_30 = tpu.memref_slice %arg8[%dma_start3A_29] : memref<400xi32, #tpu.memory_space<vmem>> -> memref<240xi32, #tpu.memory_space<vmem>>
      %dma_start3A_31 = tpu.memref_slice %arg4[%multiple_of3A] : memref<10000xi32, #tpu.memory_space<hbm>> -> memref<240xi32, #tpu.memory_space<hbm>>
      tpu.enqueue_dma source(%dma_start3A_31 : memref<240xi32, #tpu.memory_space<hbm>>) target(%dma_start3A_30 : memref<240xi32, #tpu.memory_space<vmem>>) target_semaphore(%arg15 : memref<!tpu.dma_semaphore, #tpu.memory_space<semaphore_mem>>)
      %multiple_of3A_32 = tpu.assume_multiple %add3A_26, 8 : i32
      %dma_start3A_33 = arith.constant 0 : i32
      %dma_start3A_34 = tpu.memref_slice %arg9[%dma_start3A_33] : memref<144xi32, #tpu.memory_space<vmem>> -> memref<56xi32, #tpu.memory_space<vmem>>
      %dma_start3A_35 = tpu.memref_slice %arg5[%multiple_of3A_32] : memref<2000xi32, #tpu.memory_space<hbm>> -> memref<56xi32, #tpu.memory_space<hbm>>
      %dma_start3A_36 = arith.constant 0 : i32
      %dma_start3A_37 = tpu.memref_slice %arg9[%dma_start3A_36] : memref<144xi32, #tpu.memory_space<vmem>> -> memref<56xi32, #tpu.memory_space<vmem>>
      %dma_start3A_38 = tpu.memref_slice %arg5[%multiple_of3A_32] : memref<2000xi32, #tpu.memory_space<hbm>> -> memref<56xi32, #tpu.memory_space<hbm>>
      tpu.enqueue_dma source(%dma_start3A_38 : memref<56xi32, #tpu.memory_space<hbm>>) target(%dma_start3A_37 : memref<56xi32, #tpu.memory_space<vmem>>) target_semaphore(%arg15 : memref<!tpu.dma_semaphore, #tpu.memory_space<semaphore_mem>>)
      %dma_wait3A = arith.constant 0 : i32
      %dma_wait3A_39 = tpu.memref_slice %arg8[%dma_wait3A] : memref<400xi32, #tpu.memory_space<vmem>> -> memref<240xi32, #tpu.memory_space<vmem>>
      %dma_wait3A_40 = tpu.memref_slice %arg4[%multiple_of3A] : memref<10000xi32, #tpu.memory_space<hbm>> -> memref<240xi32, #tpu.memory_space<hbm>>
      %dma_wait3A_41 = arith.constant 0 : i32
      %dma_wait3A_42 = tpu.memref_slice %arg8[%dma_wait3A_41] : memref<400xi32, #tpu.memory_space<vmem>> -> memref<240xi32, #tpu.memory_space<vmem>>
      %dma_wait3A_43 = tpu.memref_slice %arg4[%multiple_of3A] : memref<10000xi32, #tpu.memory_space<hbm>> -> memref<240xi32, #tpu.memory_space<hbm>>
      tpu.wait_dma2 semaphore(%arg15 : memref<!tpu.dma_semaphore, #tpu.memory_space<semaphore_mem>>) src(%dma_wait3A_43 : memref<240xi32, #tpu.memory_space<hbm>>) dst(%dma_wait3A_42 : memref<240xi32, #tpu.memory_space<vmem>>)
      %dma_wait3A_44 = arith.constant 0 : i32
      %dma_wait3A_45 = tpu.memref_slice %arg9[%dma_wait3A_44] : memref<144xi32, #tpu.memory_space<vmem>> -> memref<56xi32, #tpu.memory_space<vmem>>
      %dma_wait3A_46 = tpu.memref_slice %arg5[%multiple_of3A_32] : memref<2000xi32, #tpu.memory_space<hbm>> -> memref<56xi32, #tpu.memory_space<hbm>>
      %dma_wait3A_47 = arith.constant 0 : i32
      %dma_wait3A_48 = tpu.memref_slice %arg9[%dma_wait3A_47] : memref<144xi32, #tpu.memory_space<vmem>> -> memref<56xi32, #tpu.memory_space<vmem>>
      %dma_wait3A_49 = tpu.memref_slice %arg5[%multiple_of3A_32] : memref<2000xi32, #tpu.memory_space<hbm>> -> memref<56xi32, #tpu.memory_space<hbm>>
      tpu.wait_dma2 semaphore(%arg15 : memref<!tpu.dma_semaphore, #tpu.memory_space<semaphore_mem>>) src(%dma_wait3A_49 : memref<56xi32, #tpu.memory_space<hbm>>) dst(%dma_wait3A_48 : memref<56xi32, #tpu.memory_space<vmem>>)
      %dma_start3A_50 = arith.constant 0 : i32
      %dma_start3A_51 = tpu.memref_slice %arg10[%dma_start3A_50] : memref<400xi32, #tpu.memory_space<vmem>> -> memref<120xi32, #tpu.memory_space<vmem>>
      %dma_start3A_52 = arith.constant 0 : i32
      %dma_start3A_53 = tpu.memref_slice %arg8[%dma_start3A_52] : memref<400xi32, #tpu.memory_space<vmem>> -> memref<120xi32, #tpu.memory_space<vmem>>
      %dma_start3A_54 = arith.constant 0 : i32
      %dma_start3A_55 = tpu.memref_slice %arg14[%dma_start3A_54] : memref<10000xi32, #tpu.memory_space<vmem_shared>> -> memref<10000xi32, #tpu.memory_space<vmem_shared>>
      tpu.enqueue_indirect_dma source(%dma_start3A_55 : memref<10000xi32, #tpu.memory_space<vmem_shared>>) target(%dma_start3A_51 : memref<120xi32, #tpu.memory_space<vmem>>) offsets(%dma_start3A_53 : memref<120xi32, #tpu.memory_space<vmem>>) semaphore(%arg16 : memref<!tpu.dma_semaphore, #tpu.memory_space<semaphore_mem>>)
      %dma_start3A_56 = arith.constant 120 : i32
      %dma_start3A_57 = tpu.memref_slice %arg10[%dma_start3A_56] : memref<400xi32, #tpu.memory_space<vmem>> -> memref<120xi32, #tpu.memory_space<vmem>>
      %dma_start3A_58 = arith.constant 120 : i32
      %dma_start3A_59 = tpu.memref_slice %arg8[%dma_start3A_58] : memref<400xi32, #tpu.memory_space<vmem>> -> memref<120xi32, #tpu.memory_space<vmem>>
      %dma_start3A_60 = arith.constant 0 : i32
      %dma_start3A_61 = tpu.memref_slice %arg14[%dma_start3A_60] : memref<10000xi32, #tpu.memory_space<vmem_shared>> -> memref<10000xi32, #tpu.memory_space<vmem_shared>>
      tpu.enqueue_indirect_dma source(%dma_start3A_61 : memref<10000xi32, #tpu.memory_space<vmem_shared>>) target(%dma_start3A_57 : memref<120xi32, #tpu.memory_space<vmem>>) offsets(%dma_start3A_59 : memref<120xi32, #tpu.memory_space<vmem>>) semaphore(%arg16 : memref<!tpu.dma_semaphore, #tpu.memory_space<semaphore_mem>>)
      %dma_start3A_62 = arith.constant 0 : i32
      %dma_start3A_63 = tpu.memref_slice %arg11[%dma_start3A_62] : memref<144xi32, #tpu.memory_space<vmem>> -> memref<56xi32, #tpu.memory_space<vmem>>
      %dma_start3A_64 = arith.constant 0 : i32
      %dma_start3A_65 = tpu.memref_slice %arg9[%dma_start3A_64] : memref<144xi32, #tpu.memory_space<vmem>> -> memref<56xi32, #tpu.memory_space<vmem>>
      %dma_start3A_66 = arith.constant 0 : i32
      %dma_start3A_67 = tpu.memref_slice %arg14[%dma_start3A_66] : memref<10000xi32, #tpu.memory_space<vmem_shared>> -> memref<10000xi32, #tpu.memory_space<vmem_shared>>
      tpu.enqueue_indirect_dma source(%dma_start3A_67 : memref<10000xi32, #tpu.memory_space<vmem_shared>>) target(%dma_start3A_63 : memref<56xi32, #tpu.memory_space<vmem>>) offsets(%dma_start3A_65 : memref<56xi32, #tpu.memory_space<vmem>>) semaphore(%arg16 : memref<!tpu.dma_semaphore, #tpu.memory_space<semaphore_mem>>)
      %dma_wait3A_68 = arith.constant 0 : i32
      %dma_wait3A_69 = tpu.memref_slice %arg10[%dma_wait3A_68] : memref<400xi32, #tpu.memory_space<vmem>> -> memref<120xi32, #tpu.memory_space<vmem>>
      %dma_wait3A_70 = arith.constant 0 : i32
      %dma_wait3A_71 = tpu.memref_slice %arg8[%dma_wait3A_70] : memref<400xi32, #tpu.memory_space<vmem>> -> memref<120xi32, #tpu.memory_space<vmem>>
      %dma_wait3A_72 = arith.constant 0 : i32
      %dma_wait3A_73 = tpu.memref_slice %arg14[%dma_wait3A_72] : memref<10000xi32, #tpu.memory_space<vmem_shared>> -> memref<10000xi32, #tpu.memory_space<vmem_shared>>
      tpu.wait_indirect_dma semaphore(%arg16 : memref<!tpu.dma_semaphore, #tpu.memory_space<semaphore_mem>>) src(%dma_wait3A_73 : memref<10000xi32, #tpu.memory_space<vmem_shared>>) dst(%dma_wait3A_69 : memref<120xi32, #tpu.memory_space<vmem>>)
      %dma_wait3A_74 = arith.constant 120 : i32
      %dma_wait3A_75 = tpu.memref_slice %arg10[%dma_wait3A_74] : memref<400xi32, #tpu.memory_space<vmem>> -> memref<120xi32, #tpu.memory_space<vmem>>
      %dma_wait3A_76 = arith.constant 120 : i32
      %dma_wait3A_77 = tpu.memref_slice %arg8[%dma_wait3A_76] : memref<400xi32, #tpu.memory_space<vmem>> -> memref<120xi32, #tpu.memory_space<vmem>>
      %dma_wait3A_78 = arith.constant 0 : i32
      %dma_wait3A_79 = tpu.memref_slice %arg14[%dma_wait3A_78] : memref<10000xi32, #tpu.memory_space<vmem_shared>> -> memref<10000xi32, #tpu.memory_space<vmem_shared>>
      tpu.wait_indirect_dma semaphore(%arg16 : memref<!tpu.dma_semaphore, #tpu.memory_space<semaphore_mem>>) src(%dma_wait3A_79 : memref<10000xi32, #tpu.memory_space<vmem_shared>>) dst(%dma_wait3A_75 : memref<120xi32, #tpu.memory_space<vmem>>)
      %dma_wait3A_80 = arith.constant 0 : i32
      %dma_wait3A_81 = tpu.memref_slice %arg11[%dma_wait3A_80] : memref<144xi32, #tpu.memory_space<vmem>> -> memref<56xi32, #tpu.memory_space<vmem>>
      %dma_wait3A_82 = arith.constant 0 : i32
      %dma_wait3A_83 = tpu.memref_slice %arg9[%dma_wait3A_82] : memref<144xi32, #tpu.memory_space<vmem>> -> memref<56xi32, #tpu.memory_space<vmem>>
      %dma_wait3A_84 = arith.constant 0 : i32
      %dma_wait3A_85 = tpu.memref_slice %arg14[%dma_wait3A_84] : memref<10000xi32, #tpu.memory_space<vmem_shared>> -> memref<10000xi32, #tpu.memory_space<vmem_shared>>
      tpu.wait_indirect_dma semaphore(%arg16 : memref<!tpu.dma_semaphore, #tpu.memory_space<semaphore_mem>>) src(%dma_wait3A_85 : memref<10000xi32, #tpu.memory_space<vmem_shared>>) dst(%dma_wait3A_81 : memref<56xi32, #tpu.memory_space<vmem>>)
      %dma_start3A_86 = arith.constant 0 : i32
      %dma_start3A_87 = arith.constant 0 : i32
      %dma_start3A_88 = tpu.memref_slice %arg12[%dma_start3A_86, %dma_start3A_87] : memref<400x128xf32, #tpu.memory_space<vmem>> -> memref<120x128xf32, #tpu.memory_space<vmem>>
      %dma_start3A_89 = arith.constant 0 : i32
      %dma_start3A_90 = tpu.memref_slice %arg10[%dma_start3A_89] : memref<400xi32, #tpu.memory_space<vmem>> -> memref<120xi32, #tpu.memory_space<vmem>>
      %dma_start3A_91 = arith.constant 0 : i32
      %dma_start3A_92 = arith.constant 0 : i32
      %dma_start3A_93 = tpu.memref_slice %arg2[%dma_start3A_91, %dma_start3A_92] : memref<100000x128xf32, #tpu.memory_space<hbm>> -> memref<100000x128xf32, #tpu.memory_space<hbm>>
      tpu.enqueue_indirect_dma source(%dma_start3A_93 : memref<100000x128xf32, #tpu.memory_space<hbm>>) target(%dma_start3A_88 : memref<120x128xf32, #tpu.memory_space<vmem>>) offsets(%dma_start3A_90 : memref<120xi32, #tpu.memory_space<vmem>>) semaphore(%arg17 : memref<!tpu.dma_semaphore, #tpu.memory_space<semaphore_mem>>)
      %dma_start3A_94 = arith.constant 120 : i32
      %dma_start3A_95 = arith.constant 0 : i32
      %dma_start3A_96 = tpu.memref_slice %arg12[%dma_start3A_94, %dma_start3A_95] : memref<400x128xf32, #tpu.memory_space<vmem>> -> memref<120x128xf32, #tpu.memory_space<vmem>>
      %dma_start3A_97 = arith.constant 120 : i32
      %dma_start3A_98 = tpu.memref_slice %arg10[%dma_start3A_97] : memref<400xi32, #tpu.memory_space<vmem>> -> memref<120xi32, #tpu.memory_space<vmem>>
      %dma_start3A_99 = arith.constant 0 : i32
      %dma_start3A_100 = arith.constant 0 : i32
      %dma_start3A_101 = tpu.memref_slice %arg2[%dma_start3A_99, %dma_start3A_100] : memref<100000x128xf32, #tpu.memory_space<hbm>> -> memref<100000x128xf32, #tpu.memory_space<hbm>>
      tpu.enqueue_indirect_dma source(%dma_start3A_101 : memref<100000x128xf32, #tpu.memory_space<hbm>>) target(%dma_start3A_96 : memref<120x128xf32, #tpu.memory_space<vmem>>) offsets(%dma_start3A_98 : memref<120xi32, #tpu.memory_space<vmem>>) semaphore(%arg17 : memref<!tpu.dma_semaphore, #tpu.memory_space<semaphore_mem>>)
      %dma_start3A_102 = arith.constant 0 : i32
      %dma_start3A_103 = arith.constant 0 : i32
      %dma_start3A_104 = tpu.memref_slice %arg13[%dma_start3A_102, %dma_start3A_103] : memref<144x128xf32, #tpu.memory_space<vmem>> -> memref<56x128xf32, #tpu.memory_space<vmem>>
      %dma_start3A_105 = arith.constant 0 : i32
      %dma_start3A_106 = tpu.memref_slice %arg11[%dma_start3A_105] : memref<144xi32, #tpu.memory_space<vmem>> -> memref<56xi32, #tpu.memory_space<vmem>>
      %dma_start3A_107 = arith.constant 0 : i32
      %dma_start3A_108 = arith.constant 0 : i32
      %dma_start3A_109 = tpu.memref_slice %arg2[%dma_start3A_107, %dma_start3A_108] : memref<100000x128xf32, #tpu.memory_space<hbm>> -> memref<100000x128xf32, #tpu.memory_space<hbm>>
      tpu.enqueue_indirect_dma source(%dma_start3A_109 : memref<100000x128xf32, #tpu.memory_space<hbm>>) target(%dma_start3A_104 : memref<56x128xf32, #tpu.memory_space<vmem>>) offsets(%dma_start3A_106 : memref<56xi32, #tpu.memory_space<vmem>>) semaphore(%arg17 : memref<!tpu.dma_semaphore, #tpu.memory_space<semaphore_mem>>)
      %dma_wait3A_110 = arith.constant 0 : i32
      %dma_wait3A_111 = arith.constant 0 : i32
      %dma_wait3A_112 = tpu.memref_slice %arg12[%dma_wait3A_110, %dma_wait3A_111] : memref<400x128xf32, #tpu.memory_space<vmem>> -> memref<120x128xf32, #tpu.memory_space<vmem>>
      %dma_wait3A_113 = arith.constant 0 : i32
      %dma_wait3A_114 = tpu.memref_slice %arg10[%dma_wait3A_113] : memref<400xi32, #tpu.memory_space<vmem>> -> memref<120xi32, #tpu.memory_space<vmem>>
      %dma_wait3A_115 = arith.constant 0 : i32
      %dma_wait3A_116 = arith.constant 0 : i32
      %dma_wait3A_117 = tpu.memref_slice %arg2[%dma_wait3A_115, %dma_wait3A_116] : memref<100000x128xf32, #tpu.memory_space<hbm>> -> memref<100000x128xf32, #tpu.memory_space<hbm>>
      tpu.wait_indirect_dma semaphore(%arg17 : memref<!tpu.dma_semaphore, #tpu.memory_space<semaphore_mem>>) src(%dma_wait3A_117 : memref<100000x128xf32, #tpu.memory_space<hbm>>) dst(%dma_wait3A_112 : memref<120x128xf32, #tpu.memory_space<vmem>>)
      %dma_wait3A_118 = arith.constant 120 : i32
      %dma_wait3A_119 = arith.constant 0 : i32
      %dma_wait3A_120 = tpu.memref_slice %arg12[%dma_wait3A_118, %dma_wait3A_119] : memref<400x128xf32, #tpu.memory_space<vmem>> -> memref<120x128xf32, #tpu.memory_space<vmem>>
      %dma_wait3A_121 = arith.constant 120 : i32
      %dma_wait3A_122 = tpu.memref_slice %arg10[%dma_wait3A_121] : memref<400xi32, #tpu.memory_space<vmem>> -> memref<120xi32, #tpu.memory_space<vmem>>
      %dma_wait3A_123 = arith.constant 0 : i32
      %dma_wait3A_124 = arith.constant 0 : i32
      %dma_wait3A_125 = tpu.memref_slice %arg2[%dma_wait3A_123, %dma_wait3A_124] : memref<100000x128xf32, #tpu.memory_space<hbm>> -> memref<100000x128xf32, #tpu.memory_space<hbm>>
      tpu.wait_indirect_dma semaphore(%arg17 : memref<!tpu.dma_semaphore, #tpu.memory_space<semaphore_mem>>) src(%dma_wait3A_125 : memref<100000x128xf32, #tpu.memory_space<hbm>>) dst(%dma_wait3A_120 : memref<120x128xf32, #tpu.memory_space<vmem>>)
      %dma_wait3A_126 = arith.constant 0 : i32
      %dma_wait3A_127 = arith.constant 0 : i32
      %dma_wait3A_128 = tpu.memref_slice %arg13[%dma_wait3A_126, %dma_wait3A_127] : memref<144x128xf32, #tpu.memory_space<vmem>> -> memref<56x128xf32, #tpu.memory_space<vmem>>
      %dma_wait3A_129 = arith.constant 0 : i32
      %dma_wait3A_130 = tpu.memref_slice %arg11[%dma_wait3A_129] : memref<144xi32, #tpu.memory_space<vmem>> -> memref<56xi32, #tpu.memory_space<vmem>>
      %dma_wait3A_131 = arith.constant 0 : i32
      %dma_wait3A_132 = arith.constant 0 : i32
      %dma_wait3A_133 = tpu.memref_slice %arg2[%dma_wait3A_131, %dma_wait3A_132] : memref<100000x128xf32, #tpu.memory_space<hbm>> -> memref<100000x128xf32, #tpu.memory_space<hbm>>
      tpu.wait_indirect_dma semaphore(%arg17 : memref<!tpu.dma_semaphore, #tpu.memory_space<semaphore_mem>>) src(%dma_wait3A_133 : memref<100000x128xf32, #tpu.memory_space<hbm>>) dst(%dma_wait3A_128 : memref<56x128xf32, #tpu.memory_space<vmem>>)
      %dma_start3A_134 = arith.constant 0 : i32
      %dma_start3A_135 = arith.constant 0 : i32
      %dma_start3A_136 = tpu.memref_slice %arg12[%dma_start3A_134, %dma_start3A_135] : memref<400x128xf32, #tpu.memory_space<vmem>> -> memref<240x128xf32, #tpu.memory_space<vmem>>
      %dma_start3A_137 = arith.constant 0 : i32
      %dma_start3A_138 = tpu.memref_slice %arg6[%add3A_22, %dma_start3A_137] : memref<10000x128xf32, #tpu.memory_space<hbm>> -> memref<240x128xf32, #tpu.memory_space<hbm>>
      %dma_start3A_139 = arith.constant 0 : i32
      %dma_start3A_140 = tpu.memref_slice %arg6[%add3A_22, %dma_start3A_139] : memref<10000x128xf32, #tpu.memory_space<hbm>> -> memref<240x128xf32, #tpu.memory_space<hbm>>
      %dma_start3A_141 = arith.constant 0 : i32
      %dma_start3A_142 = arith.constant 0 : i32
      %dma_start3A_143 = tpu.memref_slice %arg12[%dma_start3A_141, %dma_start3A_142] : memref<400x128xf32, #tpu.memory_space<vmem>> -> memref<240x128xf32, #tpu.memory_space<vmem>>
      tpu.enqueue_dma source(%dma_start3A_143 : memref<240x128xf32, #tpu.memory_space<vmem>>) target(%dma_start3A_140 : memref<240x128xf32, #tpu.memory_space<hbm>>) target_semaphore(%arg18 : memref<!tpu.dma_semaphore, #tpu.memory_space<semaphore_mem>>)
      %dma_start3A_144 = arith.constant 0 : i32
      %dma_start3A_145 = arith.constant 0 : i32
      %dma_start3A_146 = tpu.memref_slice %arg13[%dma_start3A_144, %dma_start3A_145] : memref<144x128xf32, #tpu.memory_space<vmem>> -> memref<56x128xf32, #tpu.memory_space<vmem>>
      %dma_start3A_147 = arith.constant 0 : i32
      %dma_start3A_148 = tpu.memref_slice %arg7[%add3A_26, %dma_start3A_147] : memref<2000x128xf32, #tpu.memory_space<hbm>> -> memref<56x128xf32, #tpu.memory_space<hbm>>
      %dma_start3A_149 = arith.constant 0 : i32
      %dma_start3A_150 = tpu.memref_slice %arg7[%add3A_26, %dma_start3A_149] : memref<2000x128xf32, #tpu.memory_space<hbm>> -> memref<56x128xf32, #tpu.memory_space<hbm>>
      %dma_start3A_151 = arith.constant 0 : i32
      %dma_start3A_152 = arith.constant 0 : i32
      %dma_start3A_153 = tpu.memref_slice %arg13[%dma_start3A_151, %dma_start3A_152] : memref<144x128xf32, #tpu.memory_space<vmem>> -> memref<56x128xf32, #tpu.memory_space<vmem>>
      tpu.enqueue_dma source(%dma_start3A_153 : memref<56x128xf32, #tpu.memory_space<vmem>>) target(%dma_start3A_150 : memref<56x128xf32, #tpu.memory_space<hbm>>) target_semaphore(%arg18 : memref<!tpu.dma_semaphore, #tpu.memory_space<semaphore_mem>>)
      %dma_wait3A_154 = arith.constant 0 : i32
      %dma_wait3A_155 = arith.constant 0 : i32
      %dma_wait3A_156 = tpu.memref_slice %arg12[%dma_wait3A_154, %dma_wait3A_155] : memref<400x128xf32, #tpu.memory_space<vmem>> -> memref<240x128xf32, #tpu.memory_space<vmem>>
      %dma_wait3A_157 = arith.constant 0 : i32
      %dma_wait3A_158 = tpu.memref_slice %arg6[%add3A_22, %dma_wait3A_157] : memref<10000x128xf32, #tpu.memory_space<hbm>> -> memref<240x128xf32, #tpu.memory_space<hbm>>
      %dma_wait3A_159 = arith.constant 0 : i32
      %dma_wait3A_160 = tpu.memref_slice %arg6[%add3A_22, %dma_wait3A_159] : memref<10000x128xf32, #tpu.memory_space<hbm>> -> memref<240x128xf32, #tpu.memory_space<hbm>>
      %dma_wait3A_161 = arith.constant 0 : i32
      %dma_wait3A_162 = arith.constant 0 : i32
      %dma_wait3A_163 = tpu.memref_slice %arg12[%dma_wait3A_161, %dma_wait3A_162] : memref<400x128xf32, #tpu.memory_space<vmem>> -> memref<240x128xf32, #tpu.memory_space<vmem>>
      tpu.wait_dma2 semaphore(%arg18 : memref<!tpu.dma_semaphore, #tpu.memory_space<semaphore_mem>>) src(%dma_wait3A_163 : memref<240x128xf32, #tpu.memory_space<vmem>>) dst(%dma_wait3A_160 : memref<240x128xf32, #tpu.memory_space<hbm>>)
      %dma_wait3A_164 = arith.constant 0 : i32
      %dma_wait3A_165 = arith.constant 0 : i32
      %dma_wait3A_166 = tpu.memref_slice %arg13[%dma_wait3A_164, %dma_wait3A_165] : memref<144x128xf32, #tpu.memory_space<vmem>> -> memref<56x128xf32, #tpu.memory_space<vmem>>
      %dma_wait3A_167 = arith.constant 0 : i32
      %dma_wait3A_168 = tpu.memref_slice %arg7[%add3A_26, %dma_wait3A_167] : memref<2000x128xf32, #tpu.memory_space<hbm>> -> memref<56x128xf32, #tpu.memory_space<hbm>>
      %dma_wait3A_169 = arith.constant 0 : i32
      %dma_wait3A_170 = tpu.memref_slice %arg7[%add3A_26, %dma_wait3A_169] : memref<2000x128xf32, #tpu.memory_space<hbm>> -> memref<56x128xf32, #tpu.memory_space<hbm>>
      %dma_wait3A_171 = arith.constant 0 : i32
      %dma_wait3A_172 = arith.constant 0 : i32
      %dma_wait3A_173 = tpu.memref_slice %arg13[%dma_wait3A_171, %dma_wait3A_172] : memref<144x128xf32, #tpu.memory_space<vmem>> -> memref<56x128xf32, #tpu.memory_space<vmem>>
      tpu.wait_dma2 semaphore(%arg18 : memref<!tpu.dma_semaphore, #tpu.memory_space<semaphore_mem>>) src(%dma_wait3A_173 : memref<56x128xf32, #tpu.memory_space<vmem>>) dst(%dma_wait3A_170 : memref<56x128xf32, #tpu.memory_space<hbm>>)
    } else {
    }
    return
  }
}

module attributes {stable_mosaic.version = 14 : i64} {
  func.func @_tc_body(%arg0: i32, %arg1: memref<2000x1024xf32, #tpu.memory_space<vmem>>, %arg2: memref<1024x128xf32, #tpu.memory_space<vmem>>, %arg3: memref<2000x128xf32, #tpu.memory_space<vmem>>, %arg4: memref<2000x1024xf32, #tpu.memory_space<vmem>>, %arg5: memref<2000x1xi32, #tpu.memory_space<vmem>>, %arg6: memref<1024x1xi32, #tpu.memory_space<vmem>>, %arg7: memref<128x128xf32, #tpu.memory_space<vmem>>, %arg8: memref<128x128xf32, #tpu.memory_space<vmem>>, %arg9: memref<128x128xf32, #tpu.memory_space<vmem>>, %arg10: memref<128x128xf32, #tpu.memory_space<vmem>>, %arg11: memref<1024x128xf32, #tpu.memory_space<vmem>>, %arg12: memref<2000x128xf32, #tpu.memory_space<vmem>>, %arg13: memref<2000x2000xbf16, #tpu.memory_space<vmem>>, %arg14: memref<1024x2000xbf16, #tpu.memory_space<vmem>>) attributes {dimension_semantics = [#tpu.dimension_semantics<arbitrary>], iteration_bounds = array<i64: 10>, scalar_prefetch = 0 : i64, scratch_operands = 3 : i64, tpu.core_type = #tpu.core_type<tc>, window_params = [{transform_indices = @transform_0, window_bounds = array<i64: 2000, 1024>}, {transform_indices = @transform_1, window_bounds = array<i64: 1024, 128>}, {pipeline_mode = #tpu.pipeline_mode<synchronous>, transform_indices = @transform_2, window_bounds = array<i64: 2000, 128>}, {pipeline_mode = #tpu.pipeline_mode<synchronous>, transform_indices = @transform_3, window_bounds = array<i64: 2000, 1024>}, {pipeline_mode = #tpu.pipeline_mode<synchronous>, transform_indices = @transform_4, window_bounds = array<i64: 2000, 1>}, {pipeline_mode = #tpu.pipeline_mode<synchronous>, transform_indices = @transform_5, window_bounds = array<i64: 1024, 1>}, {pipeline_mode = #tpu.pipeline_mode<synchronous>, transform_indices = @transform_6, window_bounds = array<i64: 128, 128>}, {pipeline_mode = #tpu.pipeline_mode<synchronous>, transform_indices = @transform_7, window_bounds = array<i64: 128, 128>}, {pipeline_mode = #tpu.pipeline_mode<synchronous>, transform_indices = @transform_8, window_bounds = array<i64: 128, 128>}, {pipeline_mode = #tpu.pipeline_mode<synchronous>, transform_indices = @transform_9, window_bounds = array<i64: 128, 128>}, {pipeline_mode = #tpu.pipeline_mode<synchronous>, transform_indices = @transform_10, window_bounds = array<i64: 1024, 128>}]} {
    %eq3A = arith.constant 0 : i32
    %eq3A_0 = arith.cmpi eq, %arg0, %eq3A : i32
    %convert_element_type3A = arith.extui %eq3A_0 : i1 to i32
    %cond3A = arith.constant 0 : i32
    %cond3A_1 = arith.cmpi ne, %convert_element_type3A, %cond3A : i32
    scf.if %cond3A_1 {
      %iota3A = tpu.iota {dimensions = array<i32: 1>} : vector<2000x2000xi32>
      %get3A = arith.constant 0 : index
      %get3A_12 = arith.constant 0 : index
      %get3A_13 = vector.load %arg5[%get3A, %get3A_12] : memref<2000x1xi32, #tpu.memory_space<vmem>>, vector<2000x1xi32>
      %eq3A_14 = vector.broadcast %get3A_13 : vector<2000x1xi32> to vector<2000x2000xi32>
      %eq3A_15 = arith.cmpi eq, %eq3A_14, %iota3A : vector<2000x2000xi32>
      %convert_element_type3A_16 = arith.extui %eq3A_15 : vector<2000x2000xi1> to vector<2000x2000xi32>
      %convert_element_type3A_17 = arith.sitofp %convert_element_type3A_16 : vector<2000x2000xi32> to vector<2000x2000xf32>
      %convert_element_type3A_18 = arith.truncf %convert_element_type3A_17 : vector<2000x2000xf32> to vector<2000x2000xbf16>
      %swap3A = arith.constant 0 : index
      %swap3A_19 = arith.constant 0 : index
      %swap3A_20 = vector.load %arg13[%swap3A, %swap3A_19] : memref<2000x2000xbf16, #tpu.memory_space<vmem>>, vector<2000x2000xbf16>
      tpu.vector_store %arg13[%swap3A, %swap3A_19], %convert_element_type3A_18 {strides = array<i32>} : memref<2000x2000xbf16, #tpu.memory_space<vmem>>, vector<2000x2000xbf16>,
      %iota3A_21 = tpu.iota {dimensions = array<i32: 1>} : vector<1024x2000xi32>
      %get3A_22 = arith.constant 0 : index
      %get3A_23 = arith.constant 0 : index
      %get3A_24 = vector.load %arg6[%get3A_22, %get3A_23] : memref<1024x1xi32, #tpu.memory_space<vmem>>, vector<1024x1xi32>
      %eq3A_25 = vector.broadcast %get3A_24 : vector<1024x1xi32> to vector<1024x2000xi32>
      %eq3A_26 = arith.cmpi eq, %eq3A_25, %iota3A_21 : vector<1024x2000xi32>
      %convert_element_type3A_27 = arith.extui %eq3A_26 : vector<1024x2000xi1> to vector<1024x2000xi32>
      %convert_element_type3A_28 = arith.sitofp %convert_element_type3A_27 : vector<1024x2000xi32> to vector<1024x2000xf32>
      %convert_element_type3A_29 = arith.truncf %convert_element_type3A_28 : vector<1024x2000xf32> to vector<1024x2000xbf16>
      %swap3A_30 = arith.constant 0 : index
      %swap3A_31 = arith.constant 0 : index
      %swap3A_32 = vector.load %arg14[%swap3A_30, %swap3A_31] : memref<1024x2000xbf16, #tpu.memory_space<vmem>>, vector<1024x2000xbf16>
      tpu.vector_store %arg14[%swap3A_30, %swap3A_31], %convert_element_type3A_29 {strides = array<i32>} : memref<1024x2000xbf16, #tpu.memory_space<vmem>>, vector<1024x2000xbf16>,
      %get3A_33 = arith.constant 0 : index
      %get3A_34 = arith.constant 0 : index
      %get3A_35 = vector.load %arg1[%get3A_33, %get3A_34] : memref<2000x1024xf32, #tpu.memory_space<vmem>>, vector<2000x1024xf32>
      %get3A_36 = arith.constant 0 : index
      %get3A_37 = arith.constant 0 : index
      %get3A_38 = vector.load %arg2[%get3A_36, %get3A_37] : memref<1024x128xf32, #tpu.memory_space<vmem>>, vector<1024x128xf32>
      %dot_general3A = arith.constant dense<0.000000e+00> : vector<2000x128xf32>
      %dot_general3A_39 = tpu.matmul %get3A_35, %get3A_38, %dot_general3A {dimension_numbers = #tpu.dot_dimension_numbers<[1], [0], [0], [1], [0, 0, 1, 1], [], []>, transpose_lhs_hint = false} : vector<2000x1024xf32>, vector<1024x128xf32>, vector<2000x128xf32> -> vector<2000x128xf32>
      %swap3A_40 = arith.constant 0 : index
      %swap3A_41 = arith.constant 0 : index
      %swap3A_42 = vector.load %arg12[%swap3A_40, %swap3A_41] : memref<2000x128xf32, #tpu.memory_space<vmem>>, vector<2000x128xf32>
      tpu.vector_store %arg12[%swap3A_40, %swap3A_41], %dot_general3A_39 {strides = array<i32>} : memref<2000x128xf32, #tpu.memory_space<vmem>>, vector<2000x128xf32>,
    } else {
    }
    %gt3A = arith.constant 0 : i32
    %gt3A_2 = arith.cmpi sgt, %arg0, %gt3A : i32
    %lt3A = arith.constant 9 : i32
    %lt3A_3 = arith.cmpi slt, %arg0, %lt3A : i32
    %and3A = arith.andi %gt3A_2, %lt3A_3 : i1
    %convert_element_type3A_4 = arith.extui %and3A : i1 to i32
    %cond3A_5 = arith.constant 0 : i32
    %cond3A_6 = arith.cmpi ne, %convert_element_type3A_4, %cond3A_5 : i32
    scf.if %cond3A_6 {
      %get3A = arith.constant 0 : index
      %get3A_12 = arith.constant 0 : index
      %get3A_13 = vector.load %arg12[%get3A, %get3A_12] : memref<2000x128xf32, #tpu.memory_space<vmem>>, vector<2000x128xf32>
      %get3A_14 = arith.constant 0 : index
      %get3A_15 = arith.constant 0 : index
      %get3A_16 = vector.load %arg1[%get3A_14, %get3A_15] : memref<2000x1024xf32, #tpu.memory_space<vmem>>, vector<2000x1024xf32>
      %get3A_17 = arith.constant 0 : index
      %get3A_18 = arith.constant 0 : index
      %get3A_19 = vector.load %arg2[%get3A_17, %get3A_18] : memref<1024x128xf32, #tpu.memory_space<vmem>>, vector<1024x128xf32>
      %dot_general3A = arith.constant dense<0.000000e+00> : vector<2000x128xf32>
      %dot_general3A_20 = tpu.matmul %get3A_16, %get3A_19, %dot_general3A {dimension_numbers = #tpu.dot_dimension_numbers<[1], [0], [0], [1], [0, 0, 1, 1], [], []>, transpose_lhs_hint = false} : vector<2000x1024xf32>, vector<1024x128xf32>, vector<2000x128xf32> -> vector<2000x128xf32>
      %add3A = arith.addf %get3A_13, %dot_general3A_20 : vector<2000x128xf32>
      %swap3A = arith.constant 0 : index
      %swap3A_21 = arith.constant 0 : index
      %swap3A_22 = vector.load %arg12[%swap3A, %swap3A_21] : memref<2000x128xf32, #tpu.memory_space<vmem>>, vector<2000x128xf32>
      tpu.vector_store %arg12[%swap3A, %swap3A_21], %add3A {strides = array<i32>} : memref<2000x128xf32, #tpu.memory_space<vmem>>, vector<2000x128xf32>,
    } else {
    }
    %eq3A_7 = arith.constant 9 : i32
    %eq3A_8 = arith.cmpi eq, %arg0, %eq3A_7 : i32
    %convert_element_type3A_9 = arith.extui %eq3A_8 : i1 to i32
    %cond3A_10 = arith.constant 0 : i32
    %cond3A_11 = arith.cmpi ne, %convert_element_type3A_9, %cond3A_10 : i32
    scf.if %cond3A_11 {
      %iota3A = tpu.iota {dimensions = array<i32: 1>} : vector<2000x1024xi32>
      %lt3A_12 = arith.constant 784 : i32
      %lt3A_13 = vector.broadcast %lt3A_12 : i32 to vector<2000x1024xi32>
      %lt3A_14 = arith.cmpi slt, %iota3A, %lt3A_13 : vector<2000x1024xi32>
      %get3A = arith.constant 0 : index
      %get3A_15 = arith.constant 0 : index
      %get3A_16 = vector.load %arg1[%get3A, %get3A_15] : memref<2000x1024xf32, #tpu.memory_space<vmem>>, vector<2000x1024xf32>
      %jit3A = arith.constant 0.000000e+00 : f32
      %broadcast_in_dim3A = vector.broadcast %jit3A : f32 to vector<2000x1024xf32>
      %select_n3A = arith.select %lt3A_14, %get3A_16, %broadcast_in_dim3A : vector<2000x1024xi1>, vector<2000x1024xf32>
      %iota3A_17 = tpu.iota {dimensions = array<i32: 0>} : vector<1024x128xi32>
      %lt3A_18 = arith.constant 784 : i32
      %lt3A_19 = vector.broadcast %lt3A_18 : i32 to vector<1024x128xi32>
      %lt3A_20 = arith.cmpi slt, %iota3A_17, %lt3A_19 : vector<1024x128xi32>
      %get3A_21 = arith.constant 0 : index
      %get3A_22 = arith.constant 0 : index
      %get3A_23 = vector.load %arg2[%get3A_21, %get3A_22] : memref<1024x128xf32, #tpu.memory_space<vmem>>, vector<1024x128xf32>
      %jit3A_24 = arith.constant 0.000000e+00 : f32
      %broadcast_in_dim3A_25 = vector.broadcast %jit3A_24 : f32 to vector<1024x128xf32>
      %select_n3A_26 = arith.select %lt3A_20, %get3A_23, %broadcast_in_dim3A_25 : vector<1024x128xi1>, vector<1024x128xf32>
      %get3A_27 = arith.constant 0 : index
      %get3A_28 = arith.constant 0 : index
      %get3A_29 = vector.load %arg12[%get3A_27, %get3A_28] : memref<2000x128xf32, #tpu.memory_space<vmem>>, vector<2000x128xf32>
      %dot_general3A = arith.constant dense<0.000000e+00> : vector<2000x128xf32>
      %dot_general3A_30 = tpu.matmul %select_n3A, %select_n3A_26, %dot_general3A {dimension_numbers = #tpu.dot_dimension_numbers<[1], [0], [0], [1], [0, 0, 1, 1], [], []>, transpose_lhs_hint = false} : vector<2000x1024xf32>, vector<1024x128xf32>, vector<2000x128xf32> -> vector<2000x128xf32>
      %add3A = arith.addf %get3A_29, %dot_general3A_30 : vector<2000x128xf32>
      %get3A_31 = arith.constant 0 : index
      %get3A_32 = arith.constant 0 : index
      %get3A_33 = vector.load %arg3[%get3A_31, %get3A_32] : memref<2000x128xf32, #tpu.memory_space<vmem>>, vector<2000x128xf32>
      %get3A_34 = arith.constant 0 : index
      %get3A_35 = arith.constant 0 : index
      %get3A_36 = vector.load %arg7[%get3A_34, %get3A_35] : memref<128x128xf32, #tpu.memory_space<vmem>>, vector<128x128xf32>
      %dot_general3A_37 = arith.constant dense<0.000000e+00> : vector<2000x128xf32>
      %dot_general3A_38 = tpu.matmul %get3A_33, %get3A_36, %dot_general3A_37 {dimension_numbers = #tpu.dot_dimension_numbers<[1], [0], [0], [1], [0, 0, 1, 1], [], []>, transpose_lhs_hint = false} : vector<2000x128xf32>, vector<128x128xf32>, vector<2000x128xf32> -> vector<2000x128xf32>
      %get3A_39 = arith.constant 0 : index
      %get3A_40 = arith.constant 0 : index
      %get3A_41 = vector.load %arg8[%get3A_39, %get3A_40] : memref<128x128xf32, #tpu.memory_space<vmem>>, vector<128x128xf32>
      %dot_general3A_42 = arith.constant dense<0.000000e+00> : vector<2000x128xf32>
      %dot_general3A_43 = tpu.matmul %add3A, %get3A_41, %dot_general3A_42 {dimension_numbers = #tpu.dot_dimension_numbers<[1], [0], [0], [1], [0, 0, 1, 1], [], []>, transpose_lhs_hint = false} : vector<2000x128xf32>, vector<128x128xf32>, vector<2000x128xf32> -> vector<2000x128xf32>
      %add3A_44 = arith.addf %dot_general3A_38, %dot_general3A_43 : vector<2000x128xf32>
      %max3A = arith.constant 0.000000e+00 : f32
      %max3A_45 = vector.broadcast %max3A : f32 to vector<2000x128xf32>
      %max3A_46 = arith.maximumf %add3A_44, %max3A_45 : vector<2000x128xf32>
      %convert_element_type3A_47 = arith.truncf %max3A_46 : vector<2000x128xf32> to vector<2000x128xbf16>
      %get3A_48 = arith.constant 0 : index
      %get3A_49 = arith.constant 0 : index
      %get3A_50 = vector.load %arg13[%get3A_48, %get3A_49] : memref<2000x2000xbf16, #tpu.memory_space<vmem>>, vector<2000x2000xbf16>
      %dot_general3A_51 = arith.constant dense<0.000000e+00> : vector<2000x128xf32>
      %dot_general3A_52 = tpu.matmul %get3A_50, %convert_element_type3A_47, %dot_general3A_51 {dimension_numbers = #tpu.dot_dimension_numbers<[1], [0], [0], [1], [0, 0, 1, 1], [], []>, transpose_lhs_hint = false} : vector<2000x2000xbf16>, vector<2000x128xbf16>, vector<2000x128xf32> -> vector<2000x128xf32>
      %get3A_53 = arith.constant 0 : index
      %get3A_54 = arith.constant 0 : index
      %get3A_55 = vector.load %arg4[%get3A_53, %get3A_54] : memref<2000x1024xf32, #tpu.memory_space<vmem>>, vector<2000x1024xf32>
      %convert_element_type3A_56 = arith.truncf %get3A_55 : vector<2000x1024xf32> to vector<2000x1024xbf16>
      %convert_element_type3A_57 = arith.truncf %dot_general3A_52 : vector<2000x128xf32> to vector<2000x128xbf16>
      %dot_general3A_58 = arith.constant dense<0.000000e+00> : vector<1024x128xf32>
      %dot_general3A_59 = tpu.matmul %convert_element_type3A_56, %convert_element_type3A_57, %dot_general3A_58 {dimension_numbers = #tpu.dot_dimension_numbers<[0], [0], [1], [1], [0, 1, 1, 1], [], []>, transpose_lhs_hint = false} : vector<2000x1024xbf16>, vector<2000x128xbf16>, vector<1024x128xf32> -> vector<1024x128xf32>
      %get3A_60 = arith.constant 0 : index
      %get3A_61 = arith.constant 0 : index
      %get3A_62 = vector.load %arg14[%get3A_60, %get3A_61] : memref<1024x2000xbf16, #tpu.memory_space<vmem>>, vector<1024x2000xbf16>
      %dot_general3A_63 = arith.constant dense<0.000000e+00> : vector<1024x128xf32>
      %dot_general3A_64 = tpu.matmul %get3A_62, %convert_element_type3A_47, %dot_general3A_63 {dimension_numbers = #tpu.dot_dimension_numbers<[1], [0], [0], [1], [0, 0, 1, 1], [], []>, transpose_lhs_hint = false} : vector<1024x2000xbf16>, vector<2000x128xbf16>, vector<1024x128xf32> -> vector<1024x128xf32>
      %convert_element_type3A_65 = arith.truncf %dot_general3A_64 : vector<1024x128xf32> to vector<1024x128xbf16>
      %get3A_66 = arith.constant 0 : index
      %get3A_67 = arith.constant 0 : index
      %get3A_68 = vector.load %arg9[%get3A_66, %get3A_67] : memref<128x128xf32, #tpu.memory_space<vmem>>, vector<128x128xf32>
      %convert_element_type3A_69 = arith.truncf %get3A_68 : vector<128x128xf32> to vector<128x128xbf16>
      %dot_general3A_70 = arith.constant dense<0.000000e+00> : vector<1024x128xf32>
      %dot_general3A_71 = tpu.matmul %convert_element_type3A_65, %convert_element_type3A_69, %dot_general3A_70 {dimension_numbers = #tpu.dot_dimension_numbers<[1], [0], [0], [1], [0, 0, 1, 1], [], []>, transpose_lhs_hint = false} : vector<1024x128xbf16>, vector<128x128xbf16>, vector<1024x128xf32> -> vector<1024x128xf32>
      %convert_element_type3A_72 = arith.truncf %dot_general3A_59 : vector<1024x128xf32> to vector<1024x128xbf16>
      %get3A_73 = arith.constant 0 : index
      %get3A_74 = arith.constant 0 : index
      %get3A_75 = vector.load %arg10[%get3A_73, %get3A_74] : memref<128x128xf32, #tpu.memory_space<vmem>>, vector<128x128xf32>
      %convert_element_type3A_76 = arith.truncf %get3A_75 : vector<128x128xf32> to vector<128x128xbf16>
      %dot_general3A_77 = arith.constant dense<0.000000e+00> : vector<1024x128xf32>
      %dot_general3A_78 = tpu.matmul %convert_element_type3A_72, %convert_element_type3A_76, %dot_general3A_77 {dimension_numbers = #tpu.dot_dimension_numbers<[1], [0], [0], [1], [0, 0, 1, 1], [], []>, transpose_lhs_hint = false} : vector<1024x128xbf16>, vector<128x128xbf16>, vector<1024x128xf32> -> vector<1024x128xf32>
      %add3A_79 = arith.addf %dot_general3A_71, %dot_general3A_78 : vector<1024x128xf32>
      %swap3A = arith.constant 0 : index
      %swap3A_80 = arith.constant 0 : index
      %swap3A_81 = vector.load %arg11[%swap3A, %swap3A_80] : memref<1024x128xf32, #tpu.memory_space<vmem>>, vector<1024x128xf32>
      tpu.vector_store %arg11[%swap3A, %swap3A_80], %add3A_79 {strides = array<i32>} : memref<1024x128xf32, #tpu.memory_space<vmem>>, vector<1024x128xf32>,
    } else {
    }
    return
  }
  func.func @transform_0(%arg0: i32) -> (i32, i32) {
    %c0_i32 = arith.constant 0 : i32
    %c0_i32_0 = arith.constant 0 : i32
    return %c0_i32, %arg0 : i32, i32
  }
  func.func @transform_1(%arg0: i32) -> (i32, i32) {
    %c0_i32 = arith.constant 0 : i32
    %c0_i32_0 = arith.constant 0 : i32
    return %arg0, %c0_i32 : i32, i32
  }
  func.func @transform_2(%arg0: i32) -> (i32, i32) {
    %c0_i32 = arith.constant 0 : i32
    %c0_i32_0 = arith.constant 0 : i32
    %c0_i32_1 = arith.constant 0 : i32
    return %c0_i32, %c0_i32_0 : i32, i32
  }
  func.func @transform_3(%arg0: i32) -> (i32, i32) {
    %c0_i32 = arith.constant 0 : i32
    %c0_i32_0 = arith.constant 0 : i32
    %c0_i32_1 = arith.constant 0 : i32
    return %c0_i32, %c0_i32_0 : i32, i32
  }
  func.func @transform_4(%arg0: i32) -> (i32, i32) {
    %c0_i32 = arith.constant 0 : i32
    %c0_i32_0 = arith.constant 0 : i32
    %c0_i32_1 = arith.constant 0 : i32
    return %c0_i32, %c0_i32_0 : i32, i32
  }
  func.func @transform_5(%arg0: i32) -> (i32, i32) {
    %c0_i32 = arith.constant 0 : i32
    %c0_i32_0 = arith.constant 0 : i32
    %c0_i32_1 = arith.constant 0 : i32
    return %c0_i32, %c0_i32_0 : i32, i32
  }
  func.func @transform_6(%arg0: i32) -> (i32, i32) {
    %c0_i32 = arith.constant 0 : i32
    %c0_i32_0 = arith.constant 0 : i32
    %c0_i32_1 = arith.constant 0 : i32
    return %c0_i32, %c0_i32_0 : i32, i32
  }
  func.func @transform_7(%arg0: i32) -> (i32, i32) {
    %c0_i32 = arith.constant 0 : i32
    %c0_i32_0 = arith.constant 0 : i32
    %c0_i32_1 = arith.constant 0 : i32
    return %c0_i32, %c0_i32_0 : i32, i32
  }
  func.func @transform_8(%arg0: i32) -> (i32, i32) {
    %c0_i32 = arith.constant 0 : i32
    %c0_i32_0 = arith.constant 0 : i32
    %c0_i32_1 = arith.constant 0 : i32
    return %c0_i32, %c0_i32_0 : i32, i32
  }
  func.func @transform_9(%arg0: i32) -> (i32, i32) {
    %c0_i32 = arith.constant 0 : i32
    %c0_i32_0 = arith.constant 0 : i32
    %c0_i32_1 = arith.constant 0 : i32
    return %c0_i32, %c0_i32_0 : i32, i32
  }
  func.func @transform_10(%arg0: i32) -> (i32, i32) {
    %c0_i32 = arith.constant 0 : i32
    %c0_i32_0 = arith.constant 0 : i32
    %c0_i32_1 = arith.constant 0 : i32
    return %c0_i32, %c0_i32_0 : i32, i32
  }
}

</mosaic_0001>

<sc_bundles>
// kernel: kernel.4.cloned.1.call-start
scs
__scs_entry_jumppad:
0x0: {  	(pc) =	sbr.rel $0x88, $3  }
0x1: {  	(tag) =	ssettag $0x0;
	lr =	simm.s32 $0x1  }
0x2: {  	[smem:$0x3F97] =	sst lr;
	_ =	strace $0xD0000000  }
0x3: {  	_ = 	snop  }
0x4: {  	_ = 	snop  }
0x5: {  	_ = 	snop  }
0x6: {  	_ = 	snop  }
0x7: {  	_ = 	snop  }
__scs_overlays_trampoline_lowered:
0x8: {  	[smem:$0x3FA6] =	sst s0  }
0x9: {  	[smem:$0x3FA7] =	sst s1  }
0xa: {  	[smem:$0x3FA8] =	sst s2  }
0xb: {  	[smem:$0x3FA9] =	sst s3  }
0xc: {  	[smem:$0x3FAA] =	sst s4  }
0xd: {  	[smem:$0x3FAB] =	sst s5  }
0xe: {  	[smem:$0x3FAC] =	sst s6  }
0xf: {  	[smem:$0x3FAD] =	sst s7  }
0x10: {  	[smem:$0x3FAE] =	sst s8  }
0x11: {  	[smem:$0x3FAF] =	sst s9;
	s0 =	simm.s32 @!p0 $0x0  }
0x12: {  	s1 =	sld [smem:$0x3F95];
	s0 =	simm.s32 @p0 $0x1  }
0x13: {  	[smem:$0x3FB0] =	sst s0;
	s0 =	simm.s32 @!p1 $0x0  }
0x14: {  	s2 =	sld [smem:$0x3F94];
	s0 =	simm.s32 @p1 $0x1  }
0x15: {  	[smem:$0x3FB1] =	sst s0;
	s0 =	simm.s32 @!p2 $0x0  }
0x16: {  	s3 =	sld [smem:$0x3FDB];
	s0 =	simm.s32 @p2 $0x1  }
0x17: {  	s4 =	simm.s32 $0x1BF5;
	[smem:$0x3FB3] =	sst s0  }
0x18: {  	s0 =	sld [smem:$0x3F96];
	_ =	swait.ge [sflag:s4], $0x0  }
0x19: {  	s7 =	sld [smem:$0x3F97]  }
0x1a: {  	s8 =	sadd.s32 $0xFFFFE003, lr  }
0x1b: {  	s9 =	sadd.s32 $0xFFFFFEF7, lr;
	s5 =	simm.s32 $0xFFFFFFFF;
	p2 =	slt.u32 s8, $0xFFFFF086  }
0x1c: {  	p1 =	slt.u32 s9, $0xF7A;
	s5 =	simm.s32 @!p2 $0x0  }
0x1d: {  	s5 =	simm.s32 @p1 $0x1;
	p0 =	seq.s32 s7, s2  }
0x1e: {  	s7 =	smul.u32 @!p0 $0xF7A, s2;
	p2 =	seq.s32 @!p0 s5, $0x0  }
0x1f: {  	s9 =	smul.u32 $0xF7A, s1;
	s8 =	simm.s32 @!p0 $0x1BF5;
	p2 =	por !p2, p0  }
0x20: {  	[sflag:s8] =	ssyncset.s32 @!p0 $0xFFFFF086;
	s6 =	sadd.s32 @!p0 s3, s7;
	s7 =	simm.s32 @!p0 $0x108  }
0x21: {  	s3 =	sadd.s32 s3, s9;
	s6 =	sadd.s32 @!p0 $0x88, s6;
	s7 =	simm.s32 @p2 $0x1082  }
0x22: {  	[simem:s7], [sflag:s8] =	dma.local @!p0 [hbm:s6], $0xF7A  }
0x23: {  	s9 =	sor.u32 $0xD0000000, s2;
	s6 =	simm.s32 $0x108;
	_ =	swait.ge @!p0 [sflag:s8], $0x0  }
0x24: {  	s3 =	sadd.s32 $0x88, s3;
	s6 =	simm.s32 @!p1 $0x1082;
	[sflag:s4] =	ssyncset.s32 $0xFFFFF086  }
0x25: {  	[simem:s6], [sflag:s4] =	dma.local [hbm:s3], $0xF7A  }
0x26: {  	[smem:$0x3F97] =	sst s1;
	(tag) =	ssettag s2;
	_ =	strace s9  }
0x27: {  	s1 =	sld [smem:$0x3FA7]  }
0x28: {  	s2 =	sld [smem:$0x3FA8]  }
0x29: {  	s4 =	sld [smem:$0x3FAA]  }
0x2a: {  	p0 =	seq.s32 s5, $0x0;
	s5 =	sld [smem:$0x3FAB]  }
0x2b: {  	s6 =	sld [smem:$0x3FAC]  }
0x2c: {  	s7 =	sld [smem:$0x3FAD]  }
0x2d: {  	s3 =	simm.s32 $0x108;
	s8 =	sld [smem:$0x3FAE]  }
0x2e: {  	s3 =	simm.s32 @!p0 $0x1082;
	s9 =	sld [smem:$0x3FAF]  }
0x2f: {  	lr =	sadd.s32 s0, s3;
	s0 =	sld [smem:$0x3FA6]  }
0x30: {  	s3 =	sld [smem:$0x3FA9]  }
0x31: {  	[smem:$0x3FB2] =	sst s10  }
0x32: {  	s10 =	sld [smem:$0x3FB0];
	_ =	sdelay $0x3  }
0x33: {  	p0 =	seq.s32 s10, $0x1;
	s10 =	sld [smem:$0x3FB2];
	_ =	sdelay $0x3  }
0x34: {  	[smem:$0x3FB2] =	sst s10  }
0x35: {  	s10 =	sld [smem:$0x3FB1];
	_ =	sdelay $0x3  }
0x36: {  	p1 =	seq.s32 s10, $0x1;
	s10 =	sld [smem:$0x3FB2];
	_ =	sdelay $0x3  }
0x37: {  	[smem:$0x3FB2] =	sst s10  }
0x38: {  	s10 =	sld [smem:$0x3FB3]  }
0x39: {  	_ = 	snop;
	(pc) =	sbr.ind lr, $3  }
0x3a: {  	_ = 	snop  }
0x3b: {  	_ = 	snop  }
0x3c: {  	p2 =	seq.s32 s10, $0x1;
	s10 =	sld [smem:$0x3FB2]  }
0x3d: {  	_ =	shalt  }
0x3e: {  	_ =	shalt  }
0x3f: {  	_ =	shalt  }
0x40: {  	_ =	shalt  }
0x41: {  	_ =	shalt  }
0x42: {  	_ =	shalt  }
0x43: {  	_ =	shalt  }
0x44: {  	_ =	shalt  }
0x45: {  	_ =	shalt  }
0x46: {  	_ =	shalt  }
0x47: {  	_ =	shalt  }
0x48: {  	_ =	shalt  }
0x49: {  	_ =	shalt  }
0x4a: {  	_ =	shalt  }
0x4b: {  	_ =	shalt  }
0x4c: {  	_ =	shalt  }
0x4d: {  	_ =	shalt  }
0x4e: {  	_ =	shalt  }
0x4f: {  	_ =	shalt  }
0x50: {  	_ =	shalt  }
0x51: {  	_ =	shalt  }
0x52: {  	_ =	shalt  }
0x53: {  	_ =	shalt  }
0x54: {  	_ =	shalt  }
0x55: {  	_ =	shalt  }
0x56: {  	_ =	shalt  }
0x57: {  	_ =	shalt  }
0x58: {  	_ =	shalt  }
0x59: {  	_ =	shalt  }
0x5a: {  	_ =	shalt  }
0x5b: {  	_ =	shalt  }
0x5c: {  	_ =	shalt  }
0x5d: {  	_ =	shalt  }
0x5e: {  	_ =	shalt  }
0x5f: {  	_ =	shalt  }
0x60: {  	_ =	shalt  }
0x61: {  	_ =	shalt  }
0x62: {  	_ =	shalt  }
0x63: {  	_ =	shalt  }
0x64: {  	_ =	shalt  }
0x65: {  	_ =	shalt  }
0x66: {  	_ =	shalt  }
0x67: {  	_ =	shalt  }
0x68: {  	_ =	shalt  }
0x69: {  	_ =	shalt  }
0x6a: {  	_ =	shalt  }
0x6b: {  	_ =	shalt  }
0x6c: {  	_ =	shalt  }
0x6d: {  	_ =	shalt  }
0x6e: {  	_ =	shalt  }
0x6f: {  	_ =	shalt  }
0x70: {  	_ =	shalt  }
0x71: {  	_ =	shalt  }
0x72: {  	_ =	shalt  }
0x73: {  	_ =	shalt  }
0x74: {  	_ =	shalt  }
0x75: {  	_ =	shalt  }
0x76: {  	_ =	shalt  }
0x77: {  	_ =	shalt  }
0x78: {  	_ =	shalt  }
0x79: {  	_ =	shalt  }
0x7a: {  	_ =	shalt  }
0x7b: {  	_ =	shalt  }
0x7c: {  	_ =	shalt  }
0x7d: {  	_ =	shalt  }
0x7e: {  	_ =	shalt  }
0x7f: {  	_ =	shalt  }
0x80: {  	_ =	shalt  }
0x81: {  	_ =	shalt  }
0x82: {  	_ =	shalt  }
0x83: {  	_ =	shalt  }
0x84: {  	_ =	shalt  }
0x85: {  	_ =	shalt  }
0x86: {  	_ =	shalt  }
0x87: {  	_ =	shalt  }
.Lfunc_end0:
.L_simem_size_0:
called_computation_lowered:
.L_overlay_start_0:
0x88: {  	s2 =	sld [smem:$0x3FD9]  }
0x89: {  	s3 =	sld [smem:$0x3FFE];
	_ =	sdelay $0x1  }
0x8a: {  	s1 =	srdreg.scid  }
0x8b: {  	s0 =	sand.u32 $0x1, s1  }
0x8c: {  	s17 =	sshll.u32 s0, $0xA;
	s2 =	sadd.s32 s3, s2  }
0x8d: {  	s2 =	sadd.s32 s2, s17  }
0x8e: {  	[smem:$0x3FBE] =	sst s2  }
0x8f: {  	_ = 	snop  }
0x90: {  	s2 =	sld [smem:$0x3FC9]  }
0x91: {  	s18 =	sld [smem:$0x3FC8]  }
0x92: {  	s4 =	sld [smem:$0x3FC7]  }
0x93: {  	s5 =	sld [smem:$0x3FC6];
	(tm) =	ssettm $0x1  }
0x94: {  	s6 =	sld [smem:$0x3FFB];
	_ =	sdelay $0x3  }
0x95: {  	_ =	strace s6  }
0x96: {  	s6 =	sld [smem:$0x3FFC];
	_ =	sdelay $0x3  }
0x97: {  	_ =	strace s6  }
0x98: {  	s6 =	sld [smem:$0x3FFD];
	_ =	sdelay $0x3  }
0x99: {  	_ =	strace s6  }
0x9a: {  	_ =	strace $0x8FFFFFFF  }
0x9b: {  	s19 =	sld [smem:$0x3FDB];
	_ =	sdelay $0x1  }
0x9c: {  	s7 =	simm.s32 $_scs_section_size  }
0x9d: {  	s8 =	simm.s32 $_size__tile_overlayer_lowered;
	s9 =	simm.s32 $_tile_overlayer_lowered  }
0x9e: {  	s22 =	simm.s32 $0x1BFF;
	s21 =	sshll.u32 s9, $0x1;
	s6 =	sadd.s32 s7, s19  }
0x9f: {  	s10 =	simm.s32 $0x0;
	s20 =	sshll.u32 s8, $0x1;
	s8 =	sadd.s32 s21, s6  }
0xa0: {  	[timem:s10], [sflag:s22] =	dma.local [hbm:s8], s20  }
0xa1: {  	_ =	swait.ge [sflag:s22], s20  }
0xa2: {  	s7 =	ssub.s32 $0x0, s20;
	[sflag:s22] =	ssyncset.done $0x0  }
0xa3: {  	[sflag:s22] =	ssyncadd.s32 s7;
	_ =	sdelay $0x1  }
0xa4: {  	s23 =	simm.s32 $0x1B8B  }
0xa5: {  	_ =	swait.ge [sflag:s23], $0x1  }
0xa6: {  	[sflag:s23] =	ssyncset.done $0x0  }
0xa7: {  	s25 =	simm.s32 $0x1B8E;
	s24 =	sld [smem:$0x3FFE];
	[sflag:s23] =	ssyncadd.s32 $0xFFFFFFFF  }
0xa8: {  	s26 =	simm.s32 $execute0_lowered;
	[smem:$0x3FD2] =	sst s25  }
0xa9: {  	s8 =	sshll.u32 s26, $0x1;
	_ =	strace $0x80000046;
	[dreg:$0x1] =	wrdreg $0xFFFFFFFF  }
0xaa: {  	s28 =	simm.s32 $_size_execute0_lowered;
	s6 =	sadd.s32 s6, s8;
	[dreg:$0x0] =	wrdreg $0x0  }
0xab: {  	s8 =	sshll.u32 s28, $0x1;
	[dreg:$0x2] =	wrdreg s6  }
0xac: {  	[dreg:$0x3] =	wrdreg s8  }
0xad: {  	[dreg:$0x4] =	wrdreg $0xC0  }
0xae: {  	_ =	task [dreg:s10], $0x5FFFF  }
0xaf: {  	[dreg:$0x1] =	wrdreg $0xFFFFFFFF  }
0xb0: {  	[dreg:$0x0] =	wrdreg $0x60  }
0xb1: {  	[dreg:$0x2] =	wrdreg s2  }
0xb2: {  	[dreg:$0x3] =	wrdreg s18  }
0xb3: {  	[dreg:$0x4] =	wrdreg s4  }
0xb4: {  	[dreg:$0x5] =	wrdreg s5  }
0xb5: {  	[dreg:$0x6] =	wrdreg s24  }
0xb6: {  	[dreg:$0x7] =	wrdreg $0x116000  }
0xb7: {  	[dreg:$0x8] =	wrdreg $0x9  }
0xb8: {  	_ =	task.clear_ibuf [dreg:s10], $0x9FFFF;
	_ =	strace $0x90000046  }
0xb9: {  	s29 =	simm.s32 $0x9;
	_ =	strace $0x80000048  }
0xba: {  	_ =	swait.ge [sflag:s29], $0x1  }
0xbb: {  	[sflag:s29] =	ssyncadd.s32 $0xFFFFFFFF  }
0xbc: {  	_ =	strace $0x90000048  }
0xbd: {  	_ =	sfence  }
0xbe: {  	s30 =	sld [smem:$0x0];
	_ =	sdelay $0x2  }
0xbf: {  	s31 =	sshll.u32 s1, $0xD;
	s1 =	sshrl.u32 s1, $0x2  }
0xc0: {  	s3 =	sand.u32 $0x4000, s31;
	s1 =	sadd.s32 s1, s30  }
0xc1: {  	s0 =	sor.u32 s3, s0;
	s1 =	sshll.u32 s1, $0x11  }
0xc2: {  	s0 =	sor.u32 s1, s0  }
0xc3: {  	s0 =	sadd.s32 $0x8F2B, s0  }
0xc4: {  	[sflag:s0] =	ssyncadd.remote.s32 $0x1  }
0xc5: {  	_ =	sfence.sel $0xFFFF  }
0xc6: {  	[dreg:$0x0] =	wrdreg $0xFFFFFFFF;
	(pc) =	sbr.abs _section_cstart, $3  }
0xc7: {  	[dreg:$0x1] =	wrdreg $0xFFFFFFFF  }
0xc8: {  	_ =	task.clear_ibuf [dreg:s10], $0x2FFFF;
	_ =	strace $0x9FFFFFFF  }
0xc9: {  	(tm) =	ssettm $0x7FFFFFFF  }
tec
execute0_lowered:
.L_overlay_start_1:
0x0: {  	(tag) =	ssettag $0x1  }
0x1: {  	s0 =	rddreg [dreg:$0x0]  }
0x2: {  	s9 =	rddreg [dreg:$0x2]  }
0x3: {  	s10 =	rddreg [dreg:$0x3]  }
0x4: {  	s1 =	rddreg [dreg:$0x4]  }
0x5: {  	s5 =	rddreg [dreg:$0x5]  }
0x6: {  	s6 =	simm.s32 $0x0;
	s2 =	srdreg.scid;
	s3 =	stileid.u32  }
0x7: {  	s29 =	simm.s32 $0x1;
	s30 =	simm.s32 $0x80;
	s31 =	simm.s32 $0x300  }
0x8: {  	s15 =	simm.s32 $0x2;
	s28 =	simm.s32 $0xCE00;
	[smem:$0x7FF] =	sst s6  }
0x9: {  	s2 =	sand.u32 $0x1, s2;
	s12 =	sadd.s32 $0x1800, s1;
	s13 =	sadd.s32 $0x28A00, s1  }
0xa: {  	s8 =	smul.u32 $0x30, s3;
	s16 =	sshll.u32 s3, $0x3;
	s20 =	sadd.s32 $0x4E0, s9  }
0xb: {  	s22 =	sadd.s32 $0xF0, s10;
	_ =	strace $0x80000047;
	[dreg:$0xd] =	wrdreg s20  }
0xc: {  	s11 =	smul.u32 $0x1800, s3;
	s23 =	sadd.s32 $0x28800, s1;
	[dreg:$0xe] =	wrdreg s22  }
0xd: {  	s19 =	smul.u32 $0xF0, s3;
	s1 =	sadd.s32 $0x30200, s1;
	[dreg:$0xf] =	wrdreg s23  }
0xe: {  	s18 =	sshll.u32 s3, $0xA;
	s21 =	smul.u32 $0x38, s3;
	[dreg:$0x10] =	wrdreg s1  }
0xf: {  	p1 =	sne.s32 s3, $0x0;
	s4 =	ssub.s32 $0x2, s2;
	[dreg:$0x7] =	wrdreg s12  }
0x10: {  	p0 =	seq.s32 s2, $0x1;
	[dreg:$0x8] =	wrdreg s13;
	s22 =	sshrl.u32 s5, $0x3  }
0x11: {  	p2 =	sne.s32 s2, $0x0;
	s2 =	simm.s32 $0x10;
	s7 =	sshrl.u32 s4, $0x1  }
0x12: {  	s8 =	sadd.s32 s9, s8;
	s17 =	sadd.s32 s12, s11;
	s24 =	sor.u32 $0x400, s21  }
0x13: {  	s4 =	ssub.s32 s4, s7;
	[dreg:$0x9] =	wrdreg s8;
	s7 =	sadd.s32 s10, s16  }
0x14: {  	[dreg:$0xb] =	wrdreg s17;
	s8 =	sadd.s32 $0x1800, s19;
	s26 =	sshrl.u32 s24, $0x3  }
0x15: {  	s1 =	sshll.u32 s24, $0x4;
	s24 =	simm.s32 $0x5;
	s16 =	simm.s32 $0x600  }
0x16: {  	[dreg:$0xa] =	wrdreg s7;
	s7 =	sadd.s32 s13, s18;
	s25 =	sshrl.u32 s8, $0x3  }
.Ltmp0:
0x17: {  	s8 =	sshll.u32 s8, $0x4;
	s18 =	sadd.s32 s10, s26;
	(pc) =	sbr.rel .LBB2_1-.Ltmp0, $4  }
0x18: {  	s20 =	sadd.s32 s13, s1;
	s21 =	smax.u32 s4, $0x1;
	s26 =	simm.s32 $0x200  }
0x19: {  	s1 =	simm.s32 $0x380;
	s4 =	simm.s32 $0x400;
	s13 =	simm.s32 $0x40  }
0x1a: {  	[dreg:$0xc] =	wrdreg s7;
	s17 =	sadd.s32 s9, s25;
	s19 =	sadd.s32 s12, s8  }
0x1b: {  	s25 =	simm.s32 $0x500;
	s7 =	simm.s32 $0x3;
	s8 =	simm.s32 $0x4  }
.LBB2_6:
0x1c: {  	s3 =	simm.s32 @!p2 $0x0  }
0x1d: {  	[tilespmem:s3], [sflag:$0x1] =	stream.linear.gather @!p2 [hbm4b:s17+s3], $0xF0, $0x38;
	[tilespmem:$0x11878] =	vst v63  }
0x1e: {  	s23 =	simm.s32 @!p2 $0x200;
	s14 =	simm.s32 @!p2 $0x1  }
0x1f: {  	[tilespmem:s23], [sflag:$0x1] =	stream.linear.gather @!p2 [hbm4b:s18+s3], $0x38, $0x38;
	[tilespmem:$0x11878] =	vst v63  }
0x20: {  	_ =	swait.ge @!p2 [sflag:s14], $0xF0  }
0x21: {  	[sflag:s14] =	ssyncset.done @!p2 $0x0  }
0x22: {  	[sflag:s14] =	ssyncadd.s32 @!p2 $0xFFFFFF10  }
0x23: {  	_ =	swait.ge @!p2 [sflag:s14], $0x38  }
0x24: {  	[sflag:s14] =	ssyncset.done @!p2 $0x0  }
0x25: {  	s9 =	simm.s32 @!p2 $0x300;
	[sflag:s14] =	ssyncadd.s32 @!p2 $0xFFFFFFC8;
	s14 =	simm.s32 @!p2 $0x78  }
0x26: {  	[tilespmem:s9], [sflag:$0x2] =	stream.indirect.gather @!p2 [spmem:s5], $0x1, s3, s14, $0xb8;
	[tilespmem:$0x11878] =	vst v63  }
0x27: {  	s10 =	simm.s32 @!p2 $0x378  }
0x28: {  	[tilespmem:s10], [sflag:$0x2] =	stream.indirect.gather @!p2 [spmem:s5], $0x1, s14, s14, $0xb8;
	[tilespmem:$0x11878] =	vst v63  }
0x29: {  	s11 =	simm.s32 @!p2 $0x38;
	s12 =	simm.s32 @!p2 $0x500  }
0x2a: {  	[tilespmem:s12], [sflag:$0x2] =	stream.indirect.gather @!p2 [spmem:s5], $0x1, s23, s11, $0xb8;
	[tilespmem:$0x11878] =	vst v63  }
0x2b: {  	s23 =	simm.s32 @!p2 $0x2  }
0x2c: {  	_ =	swait.ge @!p2 [sflag:s23], $0x78  }
0x2d: {  	[sflag:s23] =	ssyncset.done @!p2 $0x0  }
0x2e: {  	[sflag:s23] =	ssyncadd.s32 @!p2 $0xFFFFFF88  }
0x2f: {  	_ =	swait.ge @!p2 [sflag:s23], $0x78  }
0x30: {  	[sflag:s23] =	ssyncset.done @!p2 $0x0  }
0x31: {  	[sflag:s23] =	ssyncadd.s32 @!p2 $0xFFFFFF88  }
0x32: {  	_ =	swait.ge @!p2 [sflag:s23], $0x38  }
0x33: {  	[sflag:s23] =	ssyncset.done @!p2 $0x0  }
0x34: {  	[sflag:s23] =	ssyncadd.s32 @!p2 $0xFFFFFFC8;
	s23 =	simm.s32 @!p2 $0x600  }
0x35: {  	[tilespmem:s23], [sflag:$0x3] =	stream.indirect.gather @!p2 [hbm4b:s0+s14], $0x80, s9, s14, $0xb8;
	[tilespmem:$0x11878] =	vst v63  }
0x36: {  	s9 =	simm.s32 @!p2 $0x4200  }
0x37: {  	[tilespmem:s9], [sflag:$0x3] =	stream.indirect.gather @!p2 [hbm4b:s0+s14], $0x80, s10, s14, $0xb8;
	[tilespmem:$0x11878] =	vst v63  }
0x38: {  	s9 =	simm.s32 @!p2 $0xCE00;
	s10 =	simm.s32 @!p2 $0x3  }
0x39: {  	[tilespmem:s9], [sflag:$0x3] =	stream.indirect.gather @!p2 [hbm4b:s0+s11], $0x80, s12, s11, $0xb8;
	[tilespmem:$0x11878] =	vst v63  }
0x3a: {  	_ =	swait.ge @!p2 [sflag:s10], $0x3C00  }
0x3b: {  	[sflag:s10] =	ssyncset.done @!p2 $0x0  }
0x3c: {  	[sflag:s10] =	ssyncadd.s32 @!p2 $0xFFFFC400  }
0x3d: {  	_ =	swait.ge @!p2 [sflag:s10], $0x3C00  }
0x3e: {  	[sflag:s10] =	ssyncset.done @!p2 $0x0  }
0x3f: {  	[sflag:s10] =	ssyncadd.s32 @!p2 $0xFFFFC400  }
0x40: {  	_ =	swait.ge @!p2 [sflag:s10], $0x1C00  }
0x41: {  	[sflag:s10] =	ssyncset.done @!p2 $0x0  }
0x42: {  	[sflag:s10] =	ssyncadd.s32 @!p2 $0xFFFFE400  }
0x43: {  	[hbm4b:s19+s3] =	stream.linear.scatter @!p2 [tilespmem:s23], [sflag:$0x4], $0x7800, $0x38;
	[tilespmem:$0x11878] =	vst v63  }
0x44: {  	_ = 	snop  }
0x45: {  	[hbm4b:s20+s3] =	stream.linear.scatter @!p2 [tilespmem:s9], [sflag:$0x4], $0x1C00, $0x38;
	[tilespmem:$0x11878] =	vst v63  }
0x46: {  	s21 =	sadd.s32 $0xFFFFFFFF, s21;
	s3 =	simm.s32 @!p2 $0x4  }
0x47: {  	p3 =	sne.s32 s21, $0x0;
	_ =	swait.ge @!p2 [sflag:s3], $0x7800  }
.Ltmp1:
0x48: {  	[sflag:s3] =	ssyncset.done @!p2 $0x0;
	(pc) =	sbr.rel @!p3 .LBB2_7-.Ltmp1, $4  }
0x49: {  	[sflag:s3] =	ssyncadd.s32 @!p2 $0xFFFF8800  }
0x4a: {  	_ =	swait.ge @!p2 [sflag:s3], $0x1C00  }
0x4b: {  	[sflag:s3] =	ssyncset.done @!p2 $0x0  }
0x4c: {  	[sflag:s3] =	ssyncadd.s32 @!p2 $0xFFFFE400  }
.LBB2_1:
.Ltmp2:
0x4d: {  	(pc) =	sbr.rel @!p1 .LBB2_2-.Ltmp2, $1  }
0x4e: {  	_ =	sdelay $0x3  }
.Ltmp3:
0x4f: {  	(pc) =	sbr.rel @!p0 .LBB2_6-.Ltmp3, $2  }
0x50: {  	_ =	sdelay $0x1  }
0x51: {  	[bflag:$0x0] =	sbarrier.arrive $0xFFFF;
	_ =	sdelay $0x1  }
0x52: {  	s3 =	rddreg [dreg:$0x9]  }
0x53: {  	[tilespmem:s6], [sflag:$0x1] =	stream.linear.gather [hbm4b:s3+s6], $0x180, $0x38;
	[tilespmem:$0x11878] =	vst v63  }
0x54: {  	s9 =	rddreg [dreg:$0xa]  }
0x55: {  	[tilespmem:s26], [sflag:$0x1] =	stream.linear.gather [hbm4b:s9+s6], $0x40, $0x38;
	[tilespmem:$0x11878] =	vst v63  }
0x56: {  	_ =	swait.ge [sflag:s29], $0x180  }
0x57: {  	[sflag:s29] =	ssyncset.done $0x0  }
0x58: {  	[sflag:s29] =	ssyncadd.s32 $0xFFFFFE80  }
0x59: {  	_ =	swait.ge [sflag:s29], $0x40  }
0x5a: {  	[sflag:s29] =	ssyncset.done $0x0  }
0x5b: {  	[sflag:s29] =	ssyncadd.s32 $0xFFFFFFC0  }
0x5c: {  	[tilespmem:s31], [sflag:$0x2] =	stream.indirect.gather [spmem:s5], $0x1, s6, s30, $0xb8;
	[tilespmem:$0x11878] =	vst v63  }
0x5d: {  	_ = 	snop  }
0x5e: {  	[tilespmem:s1], [sflag:$0x2] =	stream.indirect.gather [spmem:s5], $0x1, s30, s30, $0xb8;
	[tilespmem:$0x11878] =	vst v63  }
0x5f: {  	s10 =	simm.s32 $0x100  }
0x60: {  	[tilespmem:s4], [sflag:$0x2] =	stream.indirect.gather [spmem:s5], $0x1, s10, s30, $0xb8;
	[tilespmem:$0x11878] =	vst v63  }
0x61: {  	_ = 	snop  }
0x62: {  	[tilespmem:s25], [sflag:$0x2] =	stream.indirect.gather [spmem:s5], $0x1, s26, s13, $0xb8;
	[tilespmem:$0x11878] =	vst v63  }
0x63: {  	_ =	swait.ge [sflag:s15], $0x80  }
0x64: {  	[sflag:s15] =	ssyncset.done $0x0  }
0x65: {  	[sflag:s15] =	ssyncadd.s32 $0xFFFFFF80  }
0x66: {  	_ =	swait.ge [sflag:s15], $0x80  }
0x67: {  	[sflag:s15] =	ssyncset.done $0x0  }
0x68: {  	[sflag:s15] =	ssyncadd.s32 $0xFFFFFF80  }
0x69: {  	_ =	swait.ge [sflag:s15], $0x80  }
0x6a: {  	[sflag:s15] =	ssyncset.done $0x0  }
0x6b: {  	[sflag:s15] =	ssyncadd.s32 $0xFFFFFF80  }
0x6c: {  	_ =	swait.ge [sflag:s15], $0x40  }
0x6d: {  	[sflag:s15] =	ssyncset.done $0x0  }
0x6e: {  	[sflag:s15] =	ssyncadd.s32 $0xFFFFFFC0  }
0x6f: {  	[tilespmem:s16], [sflag:$0x3] =	stream.indirect.gather [hbm4b:s0+s30], $0x80, s31, s30, $0xb8;
	[tilespmem:$0x11878] =	vst v63  }
0x70: {  	s11 =	simm.s32 $0x4600  }
0x71: {  	[tilespmem:s11], [sflag:$0x3] =	stream.indirect.gather [hbm4b:s0+s30], $0x80, s1, s30, $0xb8;
	[tilespmem:$0x11878] =	vst v63  }
0x72: {  	s12 =	simm.s32 $0x8600  }
0x73: {  	[tilespmem:s12], [sflag:$0x3] =	stream.indirect.gather [hbm4b:s0+s30], $0x80, s4, s30, $0xb8;
	[tilespmem:$0x11878] =	vst v63  }
0x74: {  	_ = 	snop  }
0x75: {  	[tilespmem:s28], [sflag:$0x3] =	stream.indirect.gather [hbm4b:s0+s13], $0x80, s25, s13, $0xb8;
	[tilespmem:$0x11878] =	vst v63  }
0x76: {  	_ =	swait.ge [sflag:s7], $0x4000  }
0x77: {  	[sflag:s7] =	ssyncset.done $0x0  }
0x78: {  	[sflag:s7] =	ssyncadd.s32 $0xFFFFC000  }
0x79: {  	_ =	swait.ge [sflag:s7], $0x4000  }
0x7a: {  	[sflag:s7] =	ssyncset.done $0x0  }
0x7b: {  	[sflag:s7] =	ssyncadd.s32 $0xFFFFC000  }
0x7c: {  	_ =	swait.ge [sflag:s7], $0x4000  }
0x7d: {  	[sflag:s7] =	ssyncset.done $0x0  }
0x7e: {  	[sflag:s7] =	ssyncadd.s32 $0xFFFFC000  }
0x7f: {  	_ =	swait.ge [sflag:s7], $0x2000  }
0x80: {  	[sflag:s7] =	ssyncset.done $0x0  }
0x81: {  	s14 =	rddreg [dreg:$0xb];
	[sflag:s7] =	ssyncadd.s32 $0xFFFFE000  }
0x82: {  	[hbm4b:s14+s6] =	stream.linear.scatter [tilespmem:s16], [sflag:$0x4], $0xC000, $0x38;
	[tilespmem:$0x11878] =	vst v63  }
0x83: {  	s23 =	rddreg [dreg:$0xc]  }
0x84: {  	[hbm4b:s23+s6] =	stream.linear.scatter [tilespmem:s28], [sflag:$0x4], $0x2000, $0x38;
	[tilespmem:$0x11878] =	vst v63  }
0x85: {  	_ =	swait.ge [sflag:s8], $0xC000  }
.Ltmp4:
0x86: {  	[sflag:s8] =	ssyncset.done $0x0;
	(pc) =	sbr.rel .LBB2_6-.Ltmp4, $4  }
0x87: {  	[sflag:s8] =	ssyncadd.s32 $0xFFFF4000  }
0x88: {  	_ =	swait.ge [sflag:s8], $0x2000  }
0x89: {  	[sflag:s8] =	ssyncset.done $0x0  }
0x8a: {  	[sflag:s8] =	ssyncadd.s32 $0xFFFFE000  }
.LBB2_2:
0x8b: {  	s3 =	rddreg [dreg:$0x1];
	s9 =	simm.s32 $0x1C05  }
0x8c: {  	[spmem:s22], [sflag:s9] =	dma.local [hbm:s3], $0x4F0  }
.Ltmp5:
0x8d: {  	_ =	swait.ge [sflag:s24], $0x4F0;
	(pc) =	sbr.rel @!p0 .LBB2_6-.Ltmp5, $3  }
0x8e: {  	[sflag:s24] =	ssyncset.done $0x0  }
0x8f: {  	[sflag:s24] =	ssyncadd.s32 $0xFFFFFB10  }
0x90: {  	[bflag:$0x0] =	sbarrier.arrive $0xFFFF;
	_ =	sdelay $0x1  }
0x91: {  	s3 =	rddreg [dreg:$0x2]  }
0x92: {  	[tilespmem:s6], [sflag:$0x1] =	stream.linear.gather [hbm4b:s3+s6], $0x180, $0x38;
	[tilespmem:$0x11878] =	vst v63  }
0x93: {  	s23 =	rddreg [dreg:$0xd];
	s9 =	simm.s32 $0x180  }
0x94: {  	[tilespmem:s9], [sflag:$0x1] =	stream.linear.gather [hbm4b:s23+s6], $0x10, $0x38;
	[tilespmem:$0x11878] =	vst v63  }
0x95: {  	s10 =	rddreg [dreg:$0x3]  }
0x96: {  	[tilespmem:s26], [sflag:$0x1] =	stream.linear.gather [hbm4b:s10+s6], $0x40, $0x38;
	[tilespmem:$0x11878] =	vst v63  }
0x97: {  	s11 =	rddreg [dreg:$0xe];
	s10 =	simm.s32 $0x240  }
0x98: {  	[tilespmem:s10], [sflag:$0x1] =	stream.linear.gather [hbm4b:s11+s6], $0x50, $0x38;
	[tilespmem:$0x11878] =	vst v63  }
0x99: {  	_ =	swait.ge [sflag:s29], $0x180  }
0x9a: {  	[sflag:s29] =	ssyncset.done $0x0  }
0x9b: {  	[sflag:s29] =	ssyncadd.s32 $0xFFFFFE80  }
0x9c: {  	_ =	swait.ge [sflag:s29], $0x10  }
0x9d: {  	[sflag:s29] =	ssyncset.done $0x0  }
0x9e: {  	[sflag:s29] =	ssyncadd.s32 $0xFFFFFFF0  }
0x9f: {  	_ =	swait.ge [sflag:s29], $0x40  }
0xa0: {  	[sflag:s29] =	ssyncset.done $0x0  }
0xa1: {  	[sflag:s29] =	ssyncadd.s32 $0xFFFFFFC0  }
0xa2: {  	_ =	swait.ge [sflag:s29], $0x50  }
0xa3: {  	[sflag:s29] =	ssyncset.done $0x0  }
0xa4: {  	[sflag:s29] =	ssyncadd.s32 $0xFFFFFFB0  }
0xa5: {  	[tilespmem:s31], [sflag:$0x2] =	stream.indirect.gather [spmem:s5], $0x1, s6, s30, $0xb8;
	[tilespmem:$0x11878] =	vst v63  }
0xa6: {  	_ = 	snop  }
0xa7: {  	[tilespmem:s1], [sflag:$0x2] =	stream.indirect.gather [spmem:s5], $0x1, s30, s30, $0xb8;
	[tilespmem:$0x11878] =	vst v63  }
0xa8: {  	s12 =	simm.s32 $0x100  }
0xa9: {  	[tilespmem:s4], [sflag:$0x2] =	stream.indirect.gather [spmem:s5], $0x1, s12, s30, $0xb8;
	[tilespmem:$0x11878] =	vst v63  }
0xaa: {  	s3 =	simm.s32 $0x480  }
0xab: {  	[tilespmem:s3], [sflag:$0x2] =	stream.indirect.gather [spmem:s5], $0x1, s9, s2, $0xb8;
	[tilespmem:$0x11878] =	vst v63  }
0xac: {  	_ = 	snop  }
0xad: {  	[tilespmem:s25], [sflag:$0x2] =	stream.indirect.gather [spmem:s5], $0x1, s26, s13, $0xb8;
	[tilespmem:$0x11878] =	vst v63  }
0xae: {  	s9 =	simm.s32 $0x540  }
0xaf: {  	[tilespmem:s9], [sflag:$0x2] =	stream.indirect.gather [spmem:s5], $0x1, s10, s13, $0xb8;
	[tilespmem:$0x11878] =	vst v63  }
0xb0: {  	s14 =	simm.s32 $0x280;
	s11 =	simm.s32 $0x580  }
0xb1: {  	[tilespmem:s11], [sflag:$0x2] =	stream.indirect.gather [spmem:s5], $0x1, s14, s2, $0xb8;
	[tilespmem:$0x11878] =	vst v63  }
0xb2: {  	_ =	swait.ge [sflag:s15], $0x80  }
0xb3: {  	[sflag:s15] =	ssyncset.done $0x0  }
0xb4: {  	[sflag:s15] =	ssyncadd.s32 $0xFFFFFF80  }
0xb5: {  	_ =	swait.ge [sflag:s15], $0x80  }
0xb6: {  	[sflag:s15] =	ssyncset.done $0x0  }
0xb7: {  	[sflag:s15] =	ssyncadd.s32 $0xFFFFFF80  }
0xb8: {  	_ =	swait.ge [sflag:s15], $0x80  }
0xb9: {  	[sflag:s15] =	ssyncset.done $0x0  }
0xba: {  	[sflag:s15] =	ssyncadd.s32 $0xFFFFFF80  }
0xbb: {  	_ =	swait.ge [sflag:s15], $0x10  }
0xbc: {  	[sflag:s15] =	ssyncset.done $0x0  }
0xbd: {  	[sflag:s15] =	ssyncadd.s32 $0xFFFFFFF0  }
0xbe: {  	_ =	swait.ge [sflag:s15], $0x40  }
0xbf: {  	[sflag:s15] =	ssyncset.done $0x0  }
0xc0: {  	[sflag:s15] =	ssyncadd.s32 $0xFFFFFFC0  }
0xc1: {  	_ =	swait.ge [sflag:s15], $0x40  }
0xc2: {  	[sflag:s15] =	ssyncset.done $0x0  }
0xc3: {  	[sflag:s15] =	ssyncadd.s32 $0xFFFFFFC0  }
0xc4: {  	_ =	swait.ge [sflag:s15], $0x10  }
0xc5: {  	[sflag:s15] =	ssyncset.done $0x0  }
0xc6: {  	[sflag:s15] =	ssyncadd.s32 $0xFFFFFFF0  }
0xc7: {  	[tilespmem:s16], [sflag:$0x3] =	stream.indirect.gather [hbm4b:s0+s30], $0x80, s31, s30, $0xb8;
	[tilespmem:$0x11878] =	vst v63  }
0xc8: {  	s23 =	simm.s32 $0x4600  }
0xc9: {  	[tilespmem:s23], [sflag:$0x3] =	stream.indirect.gather [hbm4b:s0+s30], $0x80, s1, s30, $0xb8;
	[tilespmem:$0x11878] =	vst v63  }
0xca: {  	s12 =	simm.s32 $0x8600  }
0xcb: {  	[tilespmem:s12], [sflag:$0x3] =	stream.indirect.gather [hbm4b:s0+s30], $0x80, s4, s30, $0xb8;
	[tilespmem:$0x11878] =	vst v63  }
0xcc: {  	s14 =	simm.s32 $0xC600  }
0xcd: {  	[tilespmem:s14], [sflag:$0x3] =	stream.indirect.gather [hbm4b:s0+s2], $0x80, s3, s2, $0xb8;
	[tilespmem:$0x11878] =	vst v63  }
0xce: {  	_ = 	snop  }
0xcf: {  	[tilespmem:s28], [sflag:$0x3] =	stream.indirect.gather [hbm4b:s0+s13], $0x80, s25, s13, $0xb8;
	[tilespmem:$0x11878] =	vst v63  }
0xd0: {  	s12 =	simm.s32 $0xEE00  }
0xd1: {  	[tilespmem:s12], [sflag:$0x3] =	stream.indirect.gather [hbm4b:s0+s13], $0x80, s9, s13, $0xb8;
	[tilespmem:$0x11878] =	vst v63  }
0xd2: {  	s23 =	simm.s32 $0x10E00  }
0xd3: {  	[tilespmem:s23], [sflag:$0x3] =	stream.indirect.gather [hbm4b:s0+s2], $0x80, s11, s2, $0xb8;
	[tilespmem:$0x11878] =	vst v63  }
0xd4: {  	_ =	swait.ge [sflag:s7], $0x4000  }
0xd5: {  	[sflag:s7] =	ssyncset.done $0x0  }
0xd6: {  	[sflag:s7] =	ssyncadd.s32 $0xFFFFC000  }
0xd7: {  	_ =	swait.ge [sflag:s7], $0x4000  }
0xd8: {  	[sflag:s7] =	ssyncset.done $0x0  }
0xd9: {  	[sflag:s7] =	ssyncadd.s32 $0xFFFFC000  }
0xda: {  	_ =	swait.ge [sflag:s7], $0x4000  }
0xdb: {  	[sflag:s7] =	ssyncset.done $0x0  }
0xdc: {  	[sflag:s7] =	ssyncadd.s32 $0xFFFFC000  }
0xdd: {  	_ =	swait.ge [sflag:s7], $0x800  }
0xde: {  	[sflag:s7] =	ssyncset.done $0x0  }
0xdf: {  	[sflag:s7] =	ssyncadd.s32 $0xFFFFF800  }
0xe0: {  	_ =	swait.ge [sflag:s7], $0x2000  }
0xe1: {  	[sflag:s7] =	ssyncset.done $0x0  }
0xe2: {  	[sflag:s7] =	ssyncadd.s32 $0xFFFFE000  }
0xe3: {  	_ =	swait.ge [sflag:s7], $0x2000  }
0xe4: {  	[sflag:s7] =	ssyncset.done $0x0  }
0xe5: {  	[sflag:s7] =	ssyncadd.s32 $0xFFFFE000  }
0xe6: {  	_ =	swait.ge [sflag:s7], $0x800  }
0xe7: {  	[sflag:s7] =	ssyncset.done $0x0  }
0xe8: {  	s9 =	rddreg [dreg:$0x7];
	[sflag:s7] =	ssyncadd.s32 $0xFFFFF800  }
0xe9: {  	[hbm4b:s9+s6] =	stream.linear.scatter [tilespmem:s16], [sflag:$0x4], $0xC000, $0x38;
	[tilespmem:$0x11878] =	vst v63  }
0xea: {  	s11 =	rddreg [dreg:$0xf]  }
0xeb: {  	[hbm4b:s11+s6] =	stream.linear.scatter [tilespmem:s14], [sflag:$0x4], $0x800, $0x38;
	[tilespmem:$0x11878] =	vst v63  }
0xec: {  	s14 =	rddreg [dreg:$0x8]  }
0xed: {  	[hbm4b:s14+s6] =	stream.linear.scatter [tilespmem:s28], [sflag:$0x4], $0x2000, $0x38;
	[tilespmem:$0x11878] =	vst v63  }
0xee: {  	s23 =	rddreg [dreg:$0x10]  }
0xef: {  	[hbm4b:s23+s6] =	stream.linear.scatter [tilespmem:s12], [sflag:$0x4], $0x2800, $0x38;
	[tilespmem:$0x11878] =	vst v63  }
0xf0: {  	_ =	swait.ge [sflag:s8], $0xC000  }
0xf1: {  	[sflag:s8] =	ssyncset.done $0x0  }
0xf2: {  	[sflag:s8] =	ssyncadd.s32 $0xFFFF4000  }
0xf3: {  	_ =	swait.ge [sflag:s8], $0x800  }
0xf4: {  	[sflag:s8] =	ssyncset.done $0x0  }
0xf5: {  	[sflag:s8] =	ssyncadd.s32 $0xFFFFF800  }
0xf6: {  	_ =	swait.ge [sflag:s8], $0x2000  }
.Ltmp6:
0xf7: {  	[sflag:s8] =	ssyncset.done $0x0;
	(pc) =	sbr.rel .LBB2_6-.Ltmp6, $4  }
0xf8: {  	[sflag:s8] =	ssyncadd.s32 $0xFFFFE000  }
0xf9: {  	_ =	swait.ge [sflag:s8], $0x2800  }
0xfa: {  	[sflag:s8] =	ssyncset.done $0x0  }
0xfb: {  	[sflag:s8] =	ssyncadd.s32 $0xFFFFD800  }
.LBB2_7:
0xfc: {  	_ =	sfence.sel $0x180000  }
0xfd: {  	[bflag:$0x0] =	sbarrier.arrive $0xFFFF  }
0xfe: {  	_ =	strace $0x90000047  }
0xff: {  	[bflag:$0x2] =	sbarrier.arrive $0xFFFF  }
0x100: {  	s0 =	rddreg [dreg:$0x6]  }
0x101: {  	s0 =	sadd.s32 @!p1 $0x100000, s0  }
0x102: {  	[sflag:s0] =	ssyncadd.tile.s32 @!p1 $0x1;
	_ =	shalt  }
.Lfunc_end2:
_tile_overlayer_lowered:
.L_overlay_start_2:
0x103: {  	(tag) =	ssettag $0x2  }
0x104: {  	s0 =	rddreg [dreg:$0x0];
	s2 =	stileid.u32  }
0x105: {  	s1 =	rddreg [dreg:$0x1];
	p0 =	sne.s32 s2, $0x0  }
0x106: {  	s3 =	rddreg [dreg:$0x2];
	[bflag:$0x3] =	sbarrier.arrive $0xFFFF;
	s2 =	simm.s32 @!p0 $0x1C05  }
0x107: {  	[timem:s3], [sflag:s2] =	dma.local @!p0 [hbm:s0], s1  }
0x108: {  	s0 =	simm.s32 @!p0 $0x5  }
0x109: {  	_ =	swait.ge @!p0 [sflag:s0], s1  }
0x10a: {  	s1 =	ssub.s32 @!p0 $0x0, s1;
	[sflag:s0] =	ssyncset.done @!p0 $0x0  }
0x10b: {  	[sflag:s0] =	ssyncadd.s32 @!p0 s1  }
0x10c: {  	[bflag:$0x3] =	sbarrier.arrive $0xFFFF  }
0x10d: {  	_ =	shalt  }

</sc_bundles>
